<compile_context>
chip_gen: v7x
topology: tpu7x:2x2x1
jax: 0.10.2.dev20260603
libtpu: 0.0.44.dev20260713+nightly
codegen_flags: <defaults>
</compile_context>

<pallas_src>
import functools

import jax
import jax.numpy as jnp
from jax import lax
from jax.experimental import pallas as pl
from jax.experimental.pallas import tpu as pltpu
from jax.experimental.pallas import tpu_sc as plsc

N_CAT = 26
N_NUM = 13
VOCAB = 100000
DIM = 32
BATCH = 16384
EPS = 1e-5
EMB_F = N_CAT * DIM
FEAT = EMB_F + N_NUM

NW = 32
ROWS_W = EMB_F // NW
CH_B = 4096
NCH = BATCH // CH_B
IDXR = CH_B // 128


def _gather_sc(tabT, idx2):
    mesh = plsc.VectorSubcoreMesh(core_axis_name="c", subcore_axis_name="s")

    @functools.partial(
        pl.kernel,
        mesh=mesh,
        out_type=(
            jax.ShapeDtypeStruct((EMB_F, BATCH), jnp.float32),
            jax.ShapeDtypeStruct((NW, ROWS_W * 32), jnp.float32),
        ),
        compiler_params=pltpu.CompilerParams(
            use_tc_tiling_on_sc=True, needs_layout_passes=False),
        scratch_types=[
            pltpu.VMEM((VOCAB,), jnp.float32),
            pltpu.VMEM((BATCH // 128, 128), jnp.int32),
            pltpu.VMEM((2, CH_B), jnp.float32),
            pltpu.VMEM((ROWS_W * 32,), jnp.float32),
            pltpu.SemaphoreType.DMA,
        ],
    )
    def gk(tab, idx, out, stats, row_v, idxc_v, out_v, stats_v, sem):
        wid = lax.axis_index("s") * 2 + lax.axis_index("c")

        def row_body(k, iprev):
            f = wid * ROWS_W + k
            i = f // DIM
            pltpu.sync_copy(tab.at[f], row_v)

            @pl.when(i != iprev)
            def _():
                pltpu.sync_copy(idx.at[pl.ds(i * 128, 128)], idxc_v)

            def chunk_body(c, acc):
                s1, s2 = acc
                b = c % 2
                g = k * NCH + c

                @pl.when(g >= 2)
                def _():
                    pltpu.make_async_copy(
                        out_v.at[0], out.at[0, pl.ds(0, CH_B)], sem).wait()

                def j_body(j, acc3):
                    s1, s2 = acc3
                    vals = []
                    for u in range(16):
                        jj = j * 16 + u
                        iv = idxc_v[c * IDXR + jj // 8, pl.ds((jj % 8) * 16, 16)]
                        vals.append(plsc.load_gather(row_v, [iv]))
                    for u in range(16):
                        out_v[b, pl.ds((j * 16 + u) * 16, 16)] = vals[u]
                        s1 = s1 + vals[u]
                        s2 = s2 + vals[u] * vals[u]
                    return (s1, s2)

                s1, s2 = lax.fori_loop(0, CH_B // 256, j_body, (s1, s2))
                pltpu.make_async_copy(
                    out_v.at[b], out.at[f, pl.ds(c * CH_B, CH_B)], sem).start()
                return (s1, s2)

            zero = jnp.zeros((16,), jnp.float32)
            s1, s2 = lax.fori_loop(0, NCH, chunk_body, (zero, zero))
            stats_v[pl.ds(k * 32, 16)] = s1
            stats_v[pl.ds(k * 32 + 16, 16)] = s2
            return i

        lax.fori_loop(0, ROWS_W, row_body, -1)
        pltpu.sync_copy(stats_v, stats.at[wid])
        for _ in range(2):
            pltpu.make_async_copy(
                out_v.at[0], out.at[0, pl.ds(0, CH_B)], sem).wait()

    return gk(tabT, idx2)


def _xstats_tc(x_numT, gn, bn):
    def xstats_kernel(num_ref, gn_ref, bn_ref, sn_ref, hn_ref):
        x = num_ref[...]
        inv_b = jnp.float32(1.0 / BATCH)
        mn = jnp.sum(x, axis=1, keepdims=True) * inv_b
        vn = jnp.sum(x * x, axis=1, keepdims=True) * inv_b - mn * mn
        rn = lax.rsqrt(vn + EPS)
        sc = gn_ref[...] * rn
        sn_ref[...] = sc
        hn_ref[...] = bn_ref[...] - mn * sc

    return pl.pallas_call(
        xstats_kernel,
        grid=(1,),
        in_specs=[
            pl.BlockSpec((N_NUM, BATCH), lambda j: (0, 0)),
            pl.BlockSpec((N_NUM, 1), lambda j: (0, 0)),
            pl.BlockSpec((N_NUM, 1), lambda j: (0, 0)),
        ],
        out_specs=[
            pl.BlockSpec((N_NUM, 1), lambda j: (0, 0)),
            pl.BlockSpec((N_NUM, 1), lambda j: (0, 0)),
        ],
        out_shape=[
            jax.ShapeDtypeStruct((N_NUM, 1), jnp.float32),
            jax.ShapeDtypeStruct((N_NUM, 1), jnp.float32),
        ],
    )(x_numT, gn, bn)


BSL = 2048
NBL = BATCH // BSL


def _norm_tc(embT, x_numT, se, sn, he, hn):
    def norm_kernel(emb_ref, num_ref, se_ref, sn_ref, he_ref, hn_ref, out_ref):
        e = emb_ref[...] * se_ref[...] + he_ref[...]
        x = num_ref[...] * sn_ref[...] + hn_ref[...]
        out_ref[...] = jnp.concatenate([e, x], axis=0)

    return pl.pallas_call(
        norm_kernel,
        grid=(NBL,),
        in_specs=[
            pl.BlockSpec((EMB_F, BSL), lambda j: (0, j)),
            pl.BlockSpec((N_NUM, BSL), lambda j: (0, j)),
            pl.BlockSpec((EMB_F, 1), lambda j: (0, 0)),
            pl.BlockSpec((N_NUM, 1), lambda j: (0, 0)),
            pl.BlockSpec((EMB_F, 1), lambda j: (0, 0)),
            pl.BlockSpec((N_NUM, 1), lambda j: (0, 0)),
        ],
        out_specs=pl.BlockSpec((FEAT, BSL), lambda j: (0, j)),
        out_shape=jax.ShapeDtypeStruct((FEAT, BATCH), jnp.float32),
    )(embT, x_numT, se, sn, he, hn)


def kernel(x_num, x_cat, tables, gamma, beta):
    x_cat = x_cat.astype(jnp.int32)
    tabT = tables.transpose(0, 2, 1).reshape(EMB_F, VOCAB)
    idx2 = x_cat.T.reshape(EMB_F * BATCH // (DIM * 128), 128)
    embT, stats = _gather_sc(tabT, idx2)
    x_numT = x_num.T
    ge = gamma[:EMB_F].reshape(EMB_F, 1)
    gn = gamma[EMB_F:].reshape(N_NUM, 1)
    be = beta[:EMB_F].reshape(EMB_F, 1)
    bn = beta[EMB_F:].reshape(N_NUM, 1)
    p = stats.reshape(NW, ROWS_W, 2, 16).sum(axis=3)
    s = p[:, :, 0].reshape(EMB_F, 1)
    ss = p[:, :, 1].reshape(EMB_F, 1)
    inv_b = jnp.float32(1.0 / BATCH)
    me = s * inv_b
    ve = ss * inv_b - me * me
    re = lax.rsqrt(ve + EPS)
    se = ge * re
    he = be - me * se
    sn, hn = _xstats_tc(x_numT, gn, bn)
    outT = _norm_tc(embT, x_numT, se, sn, he, hn)
    return outT.T

# --- scband reference (transcript-rebuilt; emitter-appended) ---
"""Pipeline reference for scband-dense-feature-layer-25005299597327 (READ-ONLY COPY).

The authoritative reference and input builder live on the scoring server;
editing this copy changes nothing except your own understanding.
"""

import jax, jax.numpy as jnp
import numpy as np

N_CAT = 26
N_NUM = 13
VOCAB = 100000
DIM = 32
BATCH = 16384
EPS = 1e-5
FEAT = N_CAT * DIM + N_NUM


def setup_inputs(seed: int = 0) -> dict:
    key = jax.random.key(seed)
    k1, k2, k3 = jax.random.split(key, 3)
    x_num = jax.random.normal(k1, (BATCH, N_NUM), dtype=jnp.float32)
    x_cat = jax.random.randint(k2, (BATCH, N_CAT), 0, VOCAB, dtype=jnp.int32)
    # Embedding tables, xavier-normal initialized (fan_in=VOCAB, fan_out=DIM)
    xavier_std = float(np.sqrt(2.0 / (VOCAB + DIM)))
    tables = jax.random.normal(k3, (N_CAT, VOCAB, DIM), dtype=jnp.float32) * xavier_std
    # BatchNorm1d affine params: weight=ones, bias=zeros (as in the torch init)
    gamma = jnp.ones((FEAT,), dtype=jnp.float32)
    beta = jnp.zeros((FEAT,), dtype=jnp.float32)
    return {"x_num": x_num, "x_cat": x_cat, "tables": tables, "gamma": gamma, "beta": beta}


def reference(x_num, x_cat, tables, gamma, beta):
    x_cat = x_cat.astype(jnp.int32)
    batch = x_cat.shape[0]
    # Per-column embedding lookup: tables[i][x_cat[:, i]] -> [N_CAT, B, DIM]
    emb = jax.vmap(lambda t, idx: jnp.take(t, idx, axis=0))(tables, x_cat.T)
    # Concatenate column-wise like outputs[:, l:r] slicing: [B, N_CAT*DIM]
    emb = jnp.transpose(emb, (1, 0, 2)).reshape(batch, N_CAT * DIM)
    feats = jnp.concatenate([emb, x_num], axis=1)  # [B, FEAT]
    # BatchNorm1d in training mode: normalize with batch statistics (biased var)
    mean = jnp.mean(feats, axis=0)
    var = jnp.var(feats, axis=0)
    out = (feats - mean) / jnp.sqrt(var + EPS) * gamma + beta
    return out

if __name__ == "__main__":
    import jax
    _d = setup_inputs()
    print(jax.jit(kernel)(*tuple(_d.values())))

</pallas_src>

<mosaic_0001>
#map = affine_map<(d0, d1) -> (0, 0)>
module attributes {stable_mosaic.version = 14 : i64} {
  func.func @gk(%arg0: i32, %arg1: i32, %arg2: memref<832x100000xf32, #tpu.memory_space<hbm>>, %arg3: memref<3328x128xi32, #tpu.memory_space<hbm>>, %arg4: memref<832x16384xf32, #tpu.memory_space<hbm>>, %arg5: memref<32x832xf32, #tpu.memory_space<hbm>>, %arg6: memref<100000xf32, #tpu.memory_space<vmem>>, %arg7: memref<128x128xi32, #tpu.memory_space<vmem>>, %arg8: memref<2x4096xf32, #tpu.memory_space<vmem>>, %arg9: memref<832xf32, #tpu.memory_space<vmem>>, %arg10: memref<!tpu.dma_semaphore, #tpu.memory_space<semaphore_mem>>) attributes {dimension_semantics = [#tpu.dimension_semantics<core_parallel>, #tpu.dimension_semantics<subcore_parallel>], iteration_bounds = array<i64: 2, 16>, scalar_prefetch = 0 : i64, scratch_operands = 5 : i64, tpu.core_type = #tpu.core_type<sc_vector_subcore>, window_params = [{transform_indices = #map}, {transform_indices = #map}, {transform_indices = #map}, {transform_indices = #map}]} {
    %mul3A = arith.constant 2 : i32
    %mul3A_0 = arith.muli %arg1, %mul3A : i32
    %add3A = arith.addi %mul3A_0, %arg0 : i32
    %scan3A = arith.constant -1 : i32
    %scan3A_1 = arith.constant 0 : i32
    %scan3A_2 = arith.constant 26 : i32
    %scan3A_3 = arith.addi %scan3A_1, %scan3A_2 : i32
    %scan3A_4 = arith.constant 1 : i32
    %scan3A_5 = scf.for %scan3A_34 = %scan3A_1 to %scan3A_3 step %scan3A_4 iter_args(%scan3A_35 = %scan3A) -> (i32)  : i32 {
      %mul3A_36 = arith.constant 26 : i32
      %mul3A_37 = arith.muli %add3A, %mul3A_36 : i32
      %add3A_38 = arith.addi %mul3A_37, %scan3A_34 : i32
      %jit3A = arith.constant 32 : i32
      %div3A = arith.divsi %add3A_38, %jit3A : i32
      %sign3A = arith.constant 0 : i32
      %sign3A_39 = arith.cmpi sgt, %add3A_38, %sign3A : i32
      %sign3A_40 = arith.extui %sign3A_39 : i1 to i32
      %sign3A_41 = arith.constant 0 : i32
      %sign3A_42 = arith.cmpi slt, %add3A_38, %sign3A_41 : i32
      %sign3A_43 = arith.extui %sign3A_42 : i1 to i32
      %sign3A_44 = arith.subi %sign3A_40, %sign3A_43 : i32
      %sign3A_45 = arith.constant 0 : i32
      %sign3A_46 = arith.cmpi sgt, %jit3A, %sign3A_45 : i32
      %sign3A_47 = arith.extui %sign3A_46 : i1 to i32
      %sign3A_48 = arith.constant 0 : i32
      %sign3A_49 = arith.cmpi slt, %jit3A, %sign3A_48 : i32
      %sign3A_50 = arith.extui %sign3A_49 : i1 to i32
      %sign3A_51 = arith.subi %sign3A_47, %sign3A_50 : i32
      %ne3A = arith.cmpi ne, %sign3A_44, %sign3A_51 : i32
      %rem3A = arith.remsi %add3A_38, %jit3A : i32
      %ne3A_52 = arith.constant 0 : i32
      %ne3A_53 = arith.cmpi ne, %rem3A, %ne3A_52 : i32
      %and3A = arith.andi %ne3A, %ne3A_53 : i1
      %sub3A = arith.constant 1 : i32
      %sub3A_54 = arith.subi %div3A, %sub3A : i32
      %select_n3A = arith.select %and3A, %sub3A_54, %div3A : i32
      "tpu.region"() ({
        %run_scoped3A = tpu.sem_alloc : memref<!tpu.dma_semaphore, #tpu.memory_space<semaphore_mem>>
        %dma_start3A = arith.constant 0 : i32
        %dma_start3A_73 = tpu.memref_slice %arg2[%add3A_38, %dma_start3A] : memref<832x100000xf32, #tpu.memory_space<hbm>> -> memref<1x100000xf32, #tpu.memory_space<hbm>>
        %dma_start3A_74 = tpu.memref_squeeze %dma_start3A_73 : memref<1x100000xf32, #tpu.memory_space<hbm>> -> memref<100000xf32, #tpu.memory_space<hbm>>
        %dma_start3A_75 = arith.constant 0 : i32
        %dma_start3A_76 = tpu.memref_slice %arg2[%add3A_38, %dma_start3A_75] : memref<832x100000xf32, #tpu.memory_space<hbm>> -> memref<1x100000xf32, #tpu.memory_space<hbm>>
        %dma_start3A_77 = tpu.memref_squeeze %dma_start3A_76 : memref<1x100000xf32, #tpu.memory_space<hbm>> -> memref<100000xf32, #tpu.memory_space<hbm>>
        tpu.enqueue_dma source(%dma_start3A_77 : memref<100000xf32, #tpu.memory_space<hbm>>) target(%arg6 : memref<100000xf32, #tpu.memory_space<vmem>>) target_semaphore(%run_scoped3A : memref<!tpu.dma_semaphore, #tpu.memory_space<semaphore_mem>>)
        %dma_wait3A_78 = arith.constant 0 : i32
        %dma_wait3A_79 = tpu.memref_slice %arg2[%add3A_38, %dma_wait3A_78] : memref<832x100000xf32, #tpu.memory_space<hbm>> -> memref<1x100000xf32, #tpu.memory_space<hbm>>
        %dma_wait3A_80 = tpu.memref_squeeze %dma_wait3A_79 : memref<1x100000xf32, #tpu.memory_space<hbm>> -> memref<100000xf32, #tpu.memory_space<hbm>>
        %dma_wait3A_81 = arith.constant 0 : i32
        %dma_wait3A_82 = tpu.memref_slice %arg2[%add3A_38, %dma_wait3A_81] : memref<832x100000xf32, #tpu.memory_space<hbm>> -> memref<1x100000xf32, #tpu.memory_space<hbm>>
        %dma_wait3A_83 = tpu.memref_squeeze %dma_wait3A_82 : memref<1x100000xf32, #tpu.memory_space<hbm>> -> memref<100000xf32, #tpu.memory_space<hbm>>
        tpu.wait_dma2 semaphore(%run_scoped3A : memref<!tpu.dma_semaphore, #tpu.memory_space<semaphore_mem>>) src(%dma_wait3A_83 : memref<100000xf32, #tpu.memory_space<hbm>>) dst(%arg6 : memref<100000xf32, #tpu.memory_space<vmem>>)
        tpu.yield
      }) : () -> ()
      %ne3A_55 = arith.cmpi ne, %select_n3A, %scan3A_35 : i32
      %convert_element_type3A = arith.extui %ne3A_55 : i1 to i32
      %cond3A = arith.constant 0 : i32
      %cond3A_56 = arith.cmpi ne, %convert_element_type3A, %cond3A : i32
      scf.if %cond3A_56 {
        %mul3A_73 = arith.constant 128 : i32
        %mul3A_74 = arith.muli %select_n3A, %mul3A_73 : i32
        "tpu.region"() ({
          %run_scoped3A = tpu.sem_alloc : memref<!tpu.dma_semaphore, #tpu.memory_space<semaphore_mem>>
          %dma_start3A = arith.constant 0 : i32
          %dma_start3A_75 = tpu.memref_slice %arg3[%mul3A_74, %dma_start3A] : memref<3328x128xi32, #tpu.memory_space<hbm>> -> memref<128x128xi32, #tpu.memory_space<hbm>>
          %dma_start3A_76 = arith.constant 0 : i32
          %dma_start3A_77 = tpu.memref_slice %arg3[%mul3A_74, %dma_start3A_76] : memref<3328x128xi32, #tpu.memory_space<hbm>> -> memref<128x128xi32, #tpu.memory_space<hbm>>
          tpu.enqueue_dma source(%dma_start3A_77 : memref<128x128xi32, #tpu.memory_space<hbm>>) target(%arg7 : memref<128x128xi32, #tpu.memory_space<vmem>>) target_semaphore(%run_scoped3A : memref<!tpu.dma_semaphore, #tpu.memory_space<semaphore_mem>>)
          %dma_wait3A_78 = arith.constant 0 : i32
          %dma_wait3A_79 = tpu.memref_slice %arg3[%mul3A_74, %dma_wait3A_78] : memref<3328x128xi32, #tpu.memory_space<hbm>> -> memref<128x128xi32, #tpu.memory_space<hbm>>
          %dma_wait3A_80 = arith.constant 0 : i32
          %dma_wait3A_81 = tpu.memref_slice %arg3[%mul3A_74, %dma_wait3A_80] : memref<3328x128xi32, #tpu.memory_space<hbm>> -> memref<128x128xi32, #tpu.memory_space<hbm>>
          tpu.wait_dma2 semaphore(%run_scoped3A : memref<!tpu.dma_semaphore, #tpu.memory_space<semaphore_mem>>) src(%dma_wait3A_81 : memref<128x128xi32, #tpu.memory_space<hbm>>) dst(%arg7 : memref<128x128xi32, #tpu.memory_space<vmem>>)
          tpu.yield
        }) : () -> ()
      } else {
      }
      %broadcast_in_dim3A = arith.constant 0.000000e+00 : f32
      %broadcast_in_dim3A_57 = vector.broadcast %broadcast_in_dim3A : f32 to vector<16xf32>
      %scan3A_58 = arith.constant 0 : i32
      %scan3A_59 = arith.constant 4 : i32
      %scan3A_60 = arith.addi %scan3A_58, %scan3A_59 : i32
      %scan3A_61 = arith.constant 1 : i32
      %scan3A_62:2 = scf.for %scan3A_73 = %scan3A_58 to %scan3A_60 step %scan3A_61 iter_args(%scan3A_74 = %broadcast_in_dim3A_57, %scan3A_75 = %broadcast_in_dim3A_57) -> (vector<16xf32>, vector<16xf32>)  : i32 {
        %jit3A_76 = arith.constant 2 : i32
        %eq3A = arith.constant 0 : i32
        %eq3A_77 = arith.cmpi eq, %jit3A_76, %eq3A : i32
        %jit3A_78 = arith.constant 1 : i32
        %select_n3A_79 = arith.select %eq3A_77, %jit3A_78, %jit3A_76 : i32
        %rem3A_80 = arith.remsi %scan3A_73, %select_n3A_79 : i32
        %ne3A_81 = arith.constant 0 : i32
        %ne3A_82 = arith.cmpi ne, %rem3A_80, %ne3A_81 : i32
        %lt3A = arith.constant 0 : i32
        %lt3A_83 = arith.cmpi slt, %rem3A_80, %lt3A : i32
        %lt3A_84 = arith.constant 0 : i32
        %lt3A_85 = arith.cmpi slt, %select_n3A_79, %lt3A_84 : i32
        %ne3A_86 = arith.xori %lt3A_83, %lt3A_85 : i1
        %and3A_87 = arith.andi %ne3A_86, %ne3A_82 : i1
        %add3A_88 = arith.addi %rem3A_80, %select_n3A_79 : i32
        %select_n3A_89 = arith.select %and3A_87, %add3A_88, %rem3A_80 : i32
        %mul3A_90 = arith.constant 4 : i32
        %mul3A_91 = arith.muli %scan3A_34, %mul3A_90 : i32
        %add3A_92 = arith.addi %mul3A_91, %scan3A_73 : i32
        %ge3A = arith.constant 2 : i32
        %ge3A_93 = arith.cmpi sge, %add3A_92, %ge3A : i32
        %convert_element_type3A_94 = arith.extui %ge3A_93 : i1 to i32
        %cond3A_95 = arith.constant 0 : i32
        %cond3A_96 = arith.cmpi ne, %convert_element_type3A_94, %cond3A_95 : i32
        scf.if %cond3A_96 {
          %dma_wait3A_114 = arith.constant 0 : i32
          %dma_wait3A_115 = arith.constant 0 : i32
          %dma_wait3A_116 = arith.constant 0 : i32
          %dma_wait3A_117 = tpu.memref_slice %arg8[%dma_wait3A_114, %dma_wait3A_116] : memref<2x4096xf32, #tpu.memory_space<vmem>> -> memref<1x4096xf32, #tpu.memory_space<vmem>>
          %dma_wait3A_118 = tpu.memref_squeeze %dma_wait3A_117 : memref<1x4096xf32, #tpu.memory_space<vmem>> -> memref<4096xf32, #tpu.memory_space<vmem>>
          %dma_wait3A_119 = arith.constant 0 : i32
          %dma_wait3A_120 = tpu.memref_slice %arg4[%dma_wait3A_115, %dma_wait3A_119] : memref<832x16384xf32, #tpu.memory_space<hbm>> -> memref<1x4096xf32, #tpu.memory_space<hbm>>
          %dma_wait3A_121 = tpu.memref_squeeze %dma_wait3A_120 : memref<1x4096xf32, #tpu.memory_space<hbm>> -> memref<4096xf32, #tpu.memory_space<hbm>>
          %dma_wait3A_122 = arith.constant 0 : i32
          %dma_wait3A_123 = tpu.memref_slice %arg4[%dma_wait3A_115, %dma_wait3A_122] : memref<832x16384xf32, #tpu.memory_space<hbm>> -> memref<1x4096xf32, #tpu.memory_space<hbm>>
          %dma_wait3A_124 = tpu.memref_squeeze %dma_wait3A_123 : memref<1x4096xf32, #tpu.memory_space<hbm>> -> memref<4096xf32, #tpu.memory_space<hbm>>
          %dma_wait3A_125 = arith.constant 0 : i32
          %dma_wait3A_126 = tpu.memref_slice %arg8[%dma_wait3A_114, %dma_wait3A_125] : memref<2x4096xf32, #tpu.memory_space<vmem>> -> memref<1x4096xf32, #tpu.memory_space<vmem>>
          %dma_wait3A_127 = tpu.memref_squeeze %dma_wait3A_126 : memref<1x4096xf32, #tpu.memory_space<vmem>> -> memref<4096xf32, #tpu.memory_space<vmem>>
          tpu.wait_dma2 semaphore(%arg10 : memref<!tpu.dma_semaphore, #tpu.memory_space<semaphore_mem>>) src(%dma_wait3A_127 : memref<4096xf32, #tpu.memory_space<vmem>>) dst(%dma_wait3A_124 : memref<4096xf32, #tpu.memory_space<hbm>>)
        } else {
        }
        %scan3A_97 = arith.constant 0 : i32
        %scan3A_98 = arith.constant 16 : i32
        %scan3A_99 = arith.addi %scan3A_97, %scan3A_98 : i32
        %scan3A_100 = arith.constant 1 : i32
        %scan3A_101:2 = scf.for %scan3A_114 = %scan3A_97 to %scan3A_99 step %scan3A_100 iter_args(%scan3A_115 = %scan3A_74, %scan3A_116 = %scan3A_75) -> (vector<16xf32>, vector<16xf32>)  : i32 {
          %mul3A_117 = arith.constant 16 : i32
          %mul3A_118 = arith.muli %scan3A_114, %mul3A_117 : i32
          %add3A_119 = arith.constant 0 : i32
          %add3A_120 = arith.addi %mul3A_118, %add3A_119 : i32
          %mul3A_121 = arith.constant 32 : i32
          %mul3A_122 = arith.muli %scan3A_73, %mul3A_121 : i32
          %jit3A_123 = arith.constant 8 : i32
          %div3A_124 = arith.divsi %add3A_120, %jit3A_123 : i32
          %sign3A_125 = arith.constant 0 : i32
          %sign3A_126 = arith.cmpi sgt, %add3A_120, %sign3A_125 : i32
          %sign3A_127 = arith.extui %sign3A_126 : i1 to i32
          %sign3A_128 = arith.constant 0 : i32
          %sign3A_129 = arith.cmpi slt, %add3A_120, %sign3A_128 : i32
          %sign3A_130 = arith.extui %sign3A_129 : i1 to i32
          %sign3A_131 = arith.subi %sign3A_127, %sign3A_130 : i32
          %sign3A_132 = arith.constant 0 : i32
          %sign3A_133 = arith.cmpi sgt, %jit3A_123, %sign3A_132 : i32
          %sign3A_134 = arith.extui %sign3A_133 : i1 to i32
          %sign3A_135 = arith.constant 0 : i32
          %sign3A_136 = arith.cmpi slt, %jit3A_123, %sign3A_135 : i32
          %sign3A_137 = arith.extui %sign3A_136 : i1 to i32
          %sign3A_138 = arith.subi %sign3A_134, %sign3A_137 : i32
          %ne3A_139 = arith.cmpi ne, %sign3A_131, %sign3A_138 : i32
          %rem3A_140 = arith.remsi %add3A_120, %jit3A_123 : i32
          %ne3A_141 = arith.constant 0 : i32
          %ne3A_142 = arith.cmpi ne, %rem3A_140, %ne3A_141 : i32
          %and3A_143 = arith.andi %ne3A_139, %ne3A_142 : i1
          %sub3A_144 = arith.constant 1 : i32
          %sub3A_145 = arith.subi %div3A_124, %sub3A_144 : i32
          %select_n3A_146 = arith.select %and3A_143, %sub3A_145, %div3A_124 : i32
          %add3A_147 = arith.addi %mul3A_122, %select_n3A_146 : i32
          %jit3A_148 = arith.constant 8 : i32
          %eq3A_149 = arith.constant 0 : i32
          %eq3A_150 = arith.cmpi eq, %jit3A_148, %eq3A_149 : i32
          %jit3A_151 = arith.constant 1 : i32
          %select_n3A_152 = arith.select %eq3A_150, %jit3A_151, %jit3A_148 : i32
          %rem3A_153 = arith.remsi %add3A_120, %select_n3A_152 : i32
          %ne3A_154 = arith.constant 0 : i32
          %ne3A_155 = arith.cmpi ne, %rem3A_153, %ne3A_154 : i32
          %lt3A_156 = arith.constant 0 : i32
          %lt3A_157 = arith.cmpi slt, %rem3A_153, %lt3A_156 : i32
          %lt3A_158 = arith.constant 0 : i32
          %lt3A_159 = arith.cmpi slt, %select_n3A_152, %lt3A_158 : i32
          %ne3A_160 = arith.xori %lt3A_157, %lt3A_159 : i1
          %and3A_161 = arith.andi %ne3A_160, %ne3A_155 : i1
          %add3A_162 = arith.addi %rem3A_153, %select_n3A_152 : i32
          %select_n3A_163 = arith.select %and3A_161, %add3A_162, %rem3A_153 : i32
          %mul3A_164 = arith.constant 16 : i32
          %mul3A_165 = arith.muli %select_n3A_163, %mul3A_164 : i32
          %get3A = arith.index_cast %add3A_147 : i32 to index
          %get3A_166 = arith.index_cast %mul3A_165 : i32 to index
          %get3A_167 = tpu.vector_load %arg7[%get3A, %get3A_166] {strides = array<i32>} : memref<128x128xi32, #tpu.memory_space<vmem>>, vector<16xi32>,
          %gather3A = tpu.vector_load_idx %arg6[%get3A_167] : memref<100000xf32, #tpu.memory_space<vmem>>[vector<16xi32>], vector<16xf32>,
          %mul3A_168 = arith.constant 16 : i32
          %mul3A_169 = arith.muli %scan3A_114, %mul3A_168 : i32
          %add3A_170 = arith.constant 1 : i32
          %add3A_171 = arith.addi %mul3A_169, %add3A_170 : i32
          %mul3A_172 = arith.constant 32 : i32
          %mul3A_173 = arith.muli %scan3A_73, %mul3A_172 : i32
          %jit3A_174 = arith.constant 8 : i32
          %div3A_175 = arith.divsi %add3A_171, %jit3A_174 : i32
          %sign3A_176 = arith.constant 0 : i32
          %sign3A_177 = arith.cmpi sgt, %add3A_171, %sign3A_176 : i32
          %sign3A_178 = arith.extui %sign3A_177 : i1 to i32
          %sign3A_179 = arith.constant 0 : i32
          %sign3A_180 = arith.cmpi slt, %add3A_171, %sign3A_179 : i32
          %sign3A_181 = arith.extui %sign3A_180 : i1 to i32
          %sign3A_182 = arith.subi %sign3A_178, %sign3A_181 : i32
          %sign3A_183 = arith.constant 0 : i32
          %sign3A_184 = arith.cmpi sgt, %jit3A_174, %sign3A_183 : i32
          %sign3A_185 = arith.extui %sign3A_184 : i1 to i32
          %sign3A_186 = arith.constant 0 : i32
          %sign3A_187 = arith.cmpi slt, %jit3A_174, %sign3A_186 : i32
          %sign3A_188 = arith.extui %sign3A_187 : i1 to i32
          %sign3A_189 = arith.subi %sign3A_185, %sign3A_188 : i32
          %ne3A_190 = arith.cmpi ne, %sign3A_182, %sign3A_189 : i32
          %rem3A_191 = arith.remsi %add3A_171, %jit3A_174 : i32
          %ne3A_192 = arith.constant 0 : i32
          %ne3A_193 = arith.cmpi ne, %rem3A_191, %ne3A_192 : i32
          %and3A_194 = arith.andi %ne3A_190, %ne3A_193 : i1
          %sub3A_195 = arith.constant 1 : i32
          %sub3A_196 = arith.subi %div3A_175, %sub3A_195 : i32
          %select_n3A_197 = arith.select %and3A_194, %sub3A_196, %div3A_175 : i32
          %add3A_198 = arith.addi %mul3A_173, %select_n3A_197 : i32
          %jit3A_199 = arith.constant 8 : i32
          %eq3A_200 = arith.constant 0 : i32
          %eq3A_201 = arith.cmpi eq, %jit3A_199, %eq3A_200 : i32
          %jit3A_202 = arith.constant 1 : i32
          %select_n3A_203 = arith.select %eq3A_201, %jit3A_202, %jit3A_199 : i32
          %rem3A_204 = arith.remsi %add3A_171, %select_n3A_203 : i32
          %ne3A_205 = arith.constant 0 : i32
          %ne3A_206 = arith.cmpi ne, %rem3A_204, %ne3A_205 : i32
          %lt3A_207 = arith.constant 0 : i32
          %lt3A_208 = arith.cmpi slt, %rem3A_204, %lt3A_207 : i32
          %lt3A_209 = arith.constant 0 : i32
          %lt3A_210 = arith.cmpi slt, %select_n3A_203, %lt3A_209 : i32
          %ne3A_211 = arith.xori %lt3A_208, %lt3A_210 : i1
          %and3A_212 = arith.andi %ne3A_211, %ne3A_206 : i1
          %add3A_213 = arith.addi %rem3A_204, %select_n3A_203 : i32
          %select_n3A_214 = arith.select %and3A_212, %add3A_213, %rem3A_204 : i32
          %mul3A_215 = arith.constant 16 : i32
          %mul3A_216 = arith.muli %select_n3A_214, %mul3A_215 : i32
          %get3A_217 = arith.index_cast %add3A_198 : i32 to index
          %get3A_218 = arith.index_cast %mul3A_216 : i32 to index
          %get3A_219 = tpu.vector_load %arg7[%get3A_217, %get3A_218] {strides = array<i32>} : memref<128x128xi32, #tpu.memory_space<vmem>>, vector<16xi32>,
          %gather3A_220 = tpu.vector_load_idx %arg6[%get3A_219] : memref<100000xf32, #tpu.memory_space<vmem>>[vector<16xi32>], vector<16xf32>,
          %mul3A_221 = arith.constant 16 : i32
          %mul3A_222 = arith.muli %scan3A_114, %mul3A_221 : i32
          %add3A_223 = arith.constant 2 : i32
          %add3A_224 = arith.addi %mul3A_222, %add3A_223 : i32
          %mul3A_225 = arith.constant 32 : i32
          %mul3A_226 = arith.muli %scan3A_73, %mul3A_225 : i32
          %jit3A_227 = arith.constant 8 : i32
          %div3A_228 = arith.divsi %add3A_224, %jit3A_227 : i32
          %sign3A_229 = arith.constant 0 : i32
          %sign3A_230 = arith.cmpi sgt, %add3A_224, %sign3A_229 : i32
          %sign3A_231 = arith.extui %sign3A_230 : i1 to i32
          %sign3A_232 = arith.constant 0 : i32
          %sign3A_233 = arith.cmpi slt, %add3A_224, %sign3A_232 : i32
          %sign3A_234 = arith.extui %sign3A_233 : i1 to i32
          %sign3A_235 = arith.subi %sign3A_231, %sign3A_234 : i32
          %sign3A_236 = arith.constant 0 : i32
          %sign3A_237 = arith.cmpi sgt, %jit3A_227, %sign3A_236 : i32
          %sign3A_238 = arith.extui %sign3A_237 : i1 to i32
          %sign3A_239 = arith.constant 0 : i32
          %sign3A_240 = arith.cmpi slt, %jit3A_227, %sign3A_239 : i32
          %sign3A_241 = arith.extui %sign3A_240 : i1 to i32
          %sign3A_242 = arith.subi %sign3A_238, %sign3A_241 : i32
          %ne3A_243 = arith.cmpi ne, %sign3A_235, %sign3A_242 : i32
          %rem3A_244 = arith.remsi %add3A_224, %jit3A_227 : i32
          %ne3A_245 = arith.constant 0 : i32
          %ne3A_246 = arith.cmpi ne, %rem3A_244, %ne3A_245 : i32
          %and3A_247 = arith.andi %ne3A_243, %ne3A_246 : i1
          %sub3A_248 = arith.constant 1 : i32
          %sub3A_249 = arith.subi %div3A_228, %sub3A_248 : i32
          %select_n3A_250 = arith.select %and3A_247, %sub3A_249, %div3A_228 : i32
          %add3A_251 = arith.addi %mul3A_226, %select_n3A_250 : i32
          %jit3A_252 = arith.constant 8 : i32
          %eq3A_253 = arith.constant 0 : i32
          %eq3A_254 = arith.cmpi eq, %jit3A_252, %eq3A_253 : i32
          %jit3A_255 = arith.constant 1 : i32
          %select_n3A_256 = arith.select %eq3A_254, %jit3A_255, %jit3A_252 : i32
          %rem3A_257 = arith.remsi %add3A_224, %select_n3A_256 : i32
          %ne3A_258 = arith.constant 0 : i32
          %ne3A_259 = arith.cmpi ne, %rem3A_257, %ne3A_258 : i32
          %lt3A_260 = arith.constant 0 : i32
          %lt3A_261 = arith.cmpi slt, %rem3A_257, %lt3A_260 : i32
          %lt3A_262 = arith.constant 0 : i32
          %lt3A_263 = arith.cmpi slt, %select_n3A_256, %lt3A_262 : i32
          %ne3A_264 = arith.xori %lt3A_261, %lt3A_263 : i1
          %and3A_265 = arith.andi %ne3A_264, %ne3A_259 : i1
          %add3A_266 = arith.addi %rem3A_257, %select_n3A_256 : i32
          %select_n3A_267 = arith.select %and3A_265, %add3A_266, %rem3A_257 : i32
          %mul3A_268 = arith.constant 16 : i32
          %mul3A_269 = arith.muli %select_n3A_267, %mul3A_268 : i32
          %get3A_270 = arith.index_cast %add3A_251 : i32 to index
          %get3A_271 = arith.index_cast %mul3A_269 : i32 to index
          %get3A_272 = tpu.vector_load %arg7[%get3A_270, %get3A_271] {strides = array<i32>} : memref<128x128xi32, #tpu.memory_space<vmem>>, vector<16xi32>,
          %gather3A_273 = tpu.vector_load_idx %arg6[%get3A_272] : memref<100000xf32, #tpu.memory_space<vmem>>[vector<16xi32>], vector<16xf32>,
          %mul3A_274 = arith.constant 16 : i32
          %mul3A_275 = arith.muli %scan3A_114, %mul3A_274 : i32
          %add3A_276 = arith.constant 3 : i32
          %add3A_277 = arith.addi %mul3A_275, %add3A_276 : i32
          %mul3A_278 = arith.constant 32 : i32
          %mul3A_279 = arith.muli %scan3A_73, %mul3A_278 : i32
          %jit3A_280 = arith.constant 8 : i32
          %div3A_281 = arith.divsi %add3A_277, %jit3A_280 : i32
          %sign3A_282 = arith.constant 0 : i32
          %sign3A_283 = arith.cmpi sgt, %add3A_277, %sign3A_282 : i32
          %sign3A_284 = arith.extui %sign3A_283 : i1 to i32
          %sign3A_285 = arith.constant 0 : i32
          %sign3A_286 = arith.cmpi slt, %add3A_277, %sign3A_285 : i32
          %sign3A_287 = arith.extui %sign3A_286 : i1 to i32
          %sign3A_288 = arith.subi %sign3A_284, %sign3A_287 : i32
          %sign3A_289 = arith.constant 0 : i32
          %sign3A_290 = arith.cmpi sgt, %jit3A_280, %sign3A_289 : i32
          %sign3A_291 = arith.extui %sign3A_290 : i1 to i32
          %sign3A_292 = arith.constant 0 : i32
          %sign3A_293 = arith.cmpi slt, %jit3A_280, %sign3A_292 : i32
          %sign3A_294 = arith.extui %sign3A_293 : i1 to i32
          %sign3A_295 = arith.subi %sign3A_291, %sign3A_294 : i32
          %ne3A_296 = arith.cmpi ne, %sign3A_288, %sign3A_295 : i32
          %rem3A_297 = arith.remsi %add3A_277, %jit3A_280 : i32
          %ne3A_298 = arith.constant 0 : i32
          %ne3A_299 = arith.cmpi ne, %rem3A_297, %ne3A_298 : i32
          %and3A_300 = arith.andi %ne3A_296, %ne3A_299 : i1
          %sub3A_301 = arith.constant 1 : i32
          %sub3A_302 = arith.subi %div3A_281, %sub3A_301 : i32
          %select_n3A_303 = arith.select %and3A_300, %sub3A_302, %div3A_281 : i32
          %add3A_304 = arith.addi %mul3A_279, %select_n3A_303 : i32
          %jit3A_305 = arith.constant 8 : i32
          %eq3A_306 = arith.constant 0 : i32
          %eq3A_307 = arith.cmpi eq, %jit3A_305, %eq3A_306 : i32
          %jit3A_308 = arith.constant 1 : i32
          %select_n3A_309 = arith.select %eq3A_307, %jit3A_308, %jit3A_305 : i32
          %rem3A_310 = arith.remsi %add3A_277, %select_n3A_309 : i32
          %ne3A_311 = arith.constant 0 : i32
          %ne3A_312 = arith.cmpi ne, %rem3A_310, %ne3A_311 : i32
          %lt3A_313 = arith.constant 0 : i32
          %lt3A_314 = arith.cmpi slt, %rem3A_310, %lt3A_313 : i32
          %lt3A_315 = arith.constant 0 : i32
          %lt3A_316 = arith.cmpi slt, %select_n3A_309, %lt3A_315 : i32
          %ne3A_317 = arith.xori %lt3A_314, %lt3A_316 : i1
          %and3A_318 = arith.andi %ne3A_317, %ne3A_312 : i1
          %add3A_319 = arith.addi %rem3A_310, %select_n3A_309 : i32
          %select_n3A_320 = arith.select %and3A_318, %add3A_319, %rem3A_310 : i32
          %mul3A_321 = arith.constant 16 : i32
          %mul3A_322 = arith.muli %select_n3A_320, %mul3A_321 : i32
          %get3A_323 = arith.index_cast %add3A_304 : i32 to index
          %get3A_324 = arith.index_cast %mul3A_322 : i32 to index
          %get3A_325 = tpu.vector_load %arg7[%get3A_323, %get3A_324] {strides = array<i32>} : memref<128x128xi32, #tpu.memory_space<vmem>>, vector<16xi32>,
          %gather3A_326 = tpu.vector_load_idx %arg6[%get3A_325] : memref<100000xf32, #tpu.memory_space<vmem>>[vector<16xi32>], vector<16xf32>,
          %mul3A_327 = arith.constant 16 : i32
          %mul3A_328 = arith.muli %scan3A_114, %mul3A_327 : i32
          %add3A_329 = arith.constant 4 : i32
          %add3A_330 = arith.addi %mul3A_328, %add3A_329 : i32
          %mul3A_331 = arith.constant 32 : i32
          %mul3A_332 = arith.muli %scan3A_73, %mul3A_331 : i32
          %jit3A_333 = arith.constant 8 : i32
          %div3A_334 = arith.divsi %add3A_330, %jit3A_333 : i32
          %sign3A_335 = arith.constant 0 : i32
          %sign3A_336 = arith.cmpi sgt, %add3A_330, %sign3A_335 : i32
          %sign3A_337 = arith.extui %sign3A_336 : i1 to i32
          %sign3A_338 = arith.constant 0 : i32
          %sign3A_339 = arith.cmpi slt, %add3A_330, %sign3A_338 : i32
          %sign3A_340 = arith.extui %sign3A_339 : i1 to i32
          %sign3A_341 = arith.subi %sign3A_337, %sign3A_340 : i32
          %sign3A_342 = arith.constant 0 : i32
          %sign3A_343 = arith.cmpi sgt, %jit3A_333, %sign3A_342 : i32
          %sign3A_344 = arith.extui %sign3A_343 : i1 to i32
          %sign3A_345 = arith.constant 0 : i32
          %sign3A_346 = arith.cmpi slt, %jit3A_333, %sign3A_345 : i32
          %sign3A_347 = arith.extui %sign3A_346 : i1 to i32
          %sign3A_348 = arith.subi %sign3A_344, %sign3A_347 : i32
          %ne3A_349 = arith.cmpi ne, %sign3A_341, %sign3A_348 : i32
          %rem3A_350 = arith.remsi %add3A_330, %jit3A_333 : i32
          %ne3A_351 = arith.constant 0 : i32
          %ne3A_352 = arith.cmpi ne, %rem3A_350, %ne3A_351 : i32
          %and3A_353 = arith.andi %ne3A_349, %ne3A_352 : i1
          %sub3A_354 = arith.constant 1 : i32
          %sub3A_355 = arith.subi %div3A_334, %sub3A_354 : i32
          %select_n3A_356 = arith.select %and3A_353, %sub3A_355, %div3A_334 : i32
          %add3A_357 = arith.addi %mul3A_332, %select_n3A_356 : i32
          %jit3A_358 = arith.constant 8 : i32
          %eq3A_359 = arith.constant 0 : i32
          %eq3A_360 = arith.cmpi eq, %jit3A_358, %eq3A_359 : i32
          %jit3A_361 = arith.constant 1 : i32
          %select_n3A_362 = arith.select %eq3A_360, %jit3A_361, %jit3A_358 : i32
          %rem3A_363 = arith.remsi %add3A_330, %select_n3A_362 : i32
          %ne3A_364 = arith.constant 0 : i32
          %ne3A_365 = arith.cmpi ne, %rem3A_363, %ne3A_364 : i32
          %lt3A_366 = arith.constant 0 : i32
          %lt3A_367 = arith.cmpi slt, %rem3A_363, %lt3A_366 : i32
          %lt3A_368 = arith.constant 0 : i32
          %lt3A_369 = arith.cmpi slt, %select_n3A_362, %lt3A_368 : i32
          %ne3A_370 = arith.xori %lt3A_367, %lt3A_369 : i1
          %and3A_371 = arith.andi %ne3A_370, %ne3A_365 : i1
          %add3A_372 = arith.addi %rem3A_363, %select_n3A_362 : i32
          %select_n3A_373 = arith.select %and3A_371, %add3A_372, %rem3A_363 : i32
          %mul3A_374 = arith.constant 16 : i32
          %mul3A_375 = arith.muli %select_n3A_373, %mul3A_374 : i32
          %get3A_376 = arith.index_cast %add3A_357 : i32 to index
          %get3A_377 = arith.index_cast %mul3A_375 : i32 to index
          %get3A_378 = tpu.vector_load %arg7[%get3A_376, %get3A_377] {strides = array<i32>} : memref<128x128xi32, #tpu.memory_space<vmem>>, vector<16xi32>,
          %gather3A_379 = tpu.vector_load_idx %arg6[%get3A_378] : memref<100000xf32, #tpu.memory_space<vmem>>[vector<16xi32>], vector<16xf32>,
          %mul3A_380 = arith.constant 16 : i32
          %mul3A_381 = arith.muli %scan3A_114, %mul3A_380 : i32
          %add3A_382 = arith.constant 5 : i32
          %add3A_383 = arith.addi %mul3A_381, %add3A_382 : i32
          %mul3A_384 = arith.constant 32 : i32
          %mul3A_385 = arith.muli %scan3A_73, %mul3A_384 : i32
          %jit3A_386 = arith.constant 8 : i32
          %div3A_387 = arith.divsi %add3A_383, %jit3A_386 : i32
          %sign3A_388 = arith.constant 0 : i32
          %sign3A_389 = arith.cmpi sgt, %add3A_383, %sign3A_388 : i32
          %sign3A_390 = arith.extui %sign3A_389 : i1 to i32
          %sign3A_391 = arith.constant 0 : i32
          %sign3A_392 = arith.cmpi slt, %add3A_383, %sign3A_391 : i32
          %sign3A_393 = arith.extui %sign3A_392 : i1 to i32
          %sign3A_394 = arith.subi %sign3A_390, %sign3A_393 : i32
          %sign3A_395 = arith.constant 0 : i32
          %sign3A_396 = arith.cmpi sgt, %jit3A_386, %sign3A_395 : i32
          %sign3A_397 = arith.extui %sign3A_396 : i1 to i32
          %sign3A_398 = arith.constant 0 : i32
          %sign3A_399 = arith.cmpi slt, %jit3A_386, %sign3A_398 : i32
          %sign3A_400 = arith.extui %sign3A_399 : i1 to i32
          %sign3A_401 = arith.subi %sign3A_397, %sign3A_400 : i32
          %ne3A_402 = arith.cmpi ne, %sign3A_394, %sign3A_401 : i32
          %rem3A_403 = arith.remsi %add3A_383, %jit3A_386 : i32
          %ne3A_404 = arith.constant 0 : i32
          %ne3A_405 = arith.cmpi ne, %rem3A_403, %ne3A_404 : i32
          %and3A_406 = arith.andi %ne3A_402, %ne3A_405 : i1
          %sub3A_407 = arith.constant 1 : i32
          %sub3A_408 = arith.subi %div3A_387, %sub3A_407 : i32
          %select_n3A_409 = arith.select %and3A_406, %sub3A_408, %div3A_387 : i32
          %add3A_410 = arith.addi %mul3A_385, %select_n3A_409 : i32
          %jit3A_411 = arith.constant 8 : i32
          %eq3A_412 = arith.constant 0 : i32
          %eq3A_413 = arith.cmpi eq, %jit3A_411, %eq3A_412 : i32
          %jit3A_414 = arith.constant 1 : i32
          %select_n3A_415 = arith.select %eq3A_413, %jit3A_414, %jit3A_411 : i32
          %rem3A_416 = arith.remsi %add3A_383, %select_n3A_415 : i32
          %ne3A_417 = arith.constant 0 : i32
          %ne3A_418 = arith.cmpi ne, %rem3A_416, %ne3A_417 : i32
          %lt3A_419 = arith.constant 0 : i32
          %lt3A_420 = arith.cmpi slt, %rem3A_416, %lt3A_419 : i32
          %lt3A_421 = arith.constant 0 : i32
          %lt3A_422 = arith.cmpi slt, %select_n3A_415, %lt3A_421 : i32
          %ne3A_423 = arith.xori %lt3A_420, %lt3A_422 : i1
          %and3A_424 = arith.andi %ne3A_423, %ne3A_418 : i1
          %add3A_425 = arith.addi %rem3A_416, %select_n3A_415 : i32
          %select_n3A_426 = arith.select %and3A_424, %add3A_425, %rem3A_416 : i32
          %mul3A_427 = arith.constant 16 : i32
          %mul3A_428 = arith.muli %select_n3A_426, %mul3A_427 : i32
          %get3A_429 = arith.index_cast %add3A_410 : i32 to index
          %get3A_430 = arith.index_cast %mul3A_428 : i32 to index
          %get3A_431 = tpu.vector_load %arg7[%get3A_429, %get3A_430] {strides = array<i32>} : memref<128x128xi32, #tpu.memory_space<vmem>>, vector<16xi32>,
          %gather3A_432 = tpu.vector_load_idx %arg6[%get3A_431] : memref<100000xf32, #tpu.memory_space<vmem>>[vector<16xi32>], vector<16xf32>,
          %mul3A_433 = arith.constant 16 : i32
          %mul3A_434 = arith.muli %scan3A_114, %mul3A_433 : i32
          %add3A_435 = arith.constant 6 : i32
          %add3A_436 = arith.addi %mul3A_434, %add3A_435 : i32
          %mul3A_437 = arith.constant 32 : i32
          %mul3A_438 = arith.muli %scan3A_73, %mul3A_437 : i32
          %jit3A_439 = arith.constant 8 : i32
          %div3A_440 = arith.divsi %add3A_436, %jit3A_439 : i32
          %sign3A_441 = arith.constant 0 : i32
          %sign3A_442 = arith.cmpi sgt, %add3A_436, %sign3A_441 : i32
          %sign3A_443 = arith.extui %sign3A_442 : i1 to i32
          %sign3A_444 = arith.constant 0 : i32
          %sign3A_445 = arith.cmpi slt, %add3A_436, %sign3A_444 : i32
          %sign3A_446 = arith.extui %sign3A_445 : i1 to i32
          %sign3A_447 = arith.subi %sign3A_443, %sign3A_446 : i32
          %sign3A_448 = arith.constant 0 : i32
          %sign3A_449 = arith.cmpi sgt, %jit3A_439, %sign3A_448 : i32
          %sign3A_450 = arith.extui %sign3A_449 : i1 to i32
          %sign3A_451 = arith.constant 0 : i32
          %sign3A_452 = arith.cmpi slt, %jit3A_439, %sign3A_451 : i32
          %sign3A_453 = arith.extui %sign3A_452 : i1 to i32
          %sign3A_454 = arith.subi %sign3A_450, %sign3A_453 : i32
          %ne3A_455 = arith.cmpi ne, %sign3A_447, %sign3A_454 : i32
          %rem3A_456 = arith.remsi %add3A_436, %jit3A_439 : i32
          %ne3A_457 = arith.constant 0 : i32
          %ne3A_458 = arith.cmpi ne, %rem3A_456, %ne3A_457 : i32
          %and3A_459 = arith.andi %ne3A_455, %ne3A_458 : i1
          %sub3A_460 = arith.constant 1 : i32
          %sub3A_461 = arith.subi %div3A_440, %sub3A_460 : i32
          %select_n3A_462 = arith.select %and3A_459, %sub3A_461, %div3A_440 : i32
          %add3A_463 = arith.addi %mul3A_438, %select_n3A_462 : i32
          %jit3A_464 = arith.constant 8 : i32
          %eq3A_465 = arith.constant 0 : i32
          %eq3A_466 = arith.cmpi eq, %jit3A_464, %eq3A_465 : i32
          %jit3A_467 = arith.constant 1 : i32
          %select_n3A_468 = arith.select %eq3A_466, %jit3A_467, %jit3A_464 : i32
          %rem3A_469 = arith.remsi %add3A_436, %select_n3A_468 : i32
          %ne3A_470 = arith.constant 0 : i32
          %ne3A_471 = arith.cmpi ne, %rem3A_469, %ne3A_470 : i32
          %lt3A_472 = arith.constant 0 : i32
          %lt3A_473 = arith.cmpi slt, %rem3A_469, %lt3A_472 : i32
          %lt3A_474 = arith.constant 0 : i32
          %lt3A_475 = arith.cmpi slt, %select_n3A_468, %lt3A_474 : i32
          %ne3A_476 = arith.xori %lt3A_473, %lt3A_475 : i1
          %and3A_477 = arith.andi %ne3A_476, %ne3A_471 : i1
          %add3A_478 = arith.addi %rem3A_469, %select_n3A_468 : i32
          %select_n3A_479 = arith.select %and3A_477, %add3A_478, %rem3A_469 : i32
          %mul3A_480 = arith.constant 16 : i32
          %mul3A_481 = arith.muli %select_n3A_479, %mul3A_480 : i32
          %get3A_482 = arith.index_cast %add3A_463 : i32 to index
          %get3A_483 = arith.index_cast %mul3A_481 : i32 to index
          %get3A_484 = tpu.vector_load %arg7[%get3A_482, %get3A_483] {strides = array<i32>} : memref<128x128xi32, #tpu.memory_space<vmem>>, vector<16xi32>,
          %gather3A_485 = tpu.vector_load_idx %arg6[%get3A_484] : memref<100000xf32, #tpu.memory_space<vmem>>[vector<16xi32>], vector<16xf32>,
          %mul3A_486 = arith.constant 16 : i32
          %mul3A_487 = arith.muli %scan3A_114, %mul3A_486 : i32
          %add3A_488 = arith.constant 7 : i32
          %add3A_489 = arith.addi %mul3A_487, %add3A_488 : i32
          %mul3A_490 = arith.constant 32 : i32
          %mul3A_491 = arith.muli %scan3A_73, %mul3A_490 : i32
          %jit3A_492 = arith.constant 8 : i32
          %div3A_493 = arith.divsi %add3A_489, %jit3A_492 : i32
          %sign3A_494 = arith.constant 0 : i32
          %sign3A_495 = arith.cmpi sgt, %add3A_489, %sign3A_494 : i32
          %sign3A_496 = arith.extui %sign3A_495 : i1 to i32
          %sign3A_497 = arith.constant 0 : i32
          %sign3A_498 = arith.cmpi slt, %add3A_489, %sign3A_497 : i32
          %sign3A_499 = arith.extui %sign3A_498 : i1 to i32
          %sign3A_500 = arith.subi %sign3A_496, %sign3A_499 : i32
          %sign3A_501 = arith.constant 0 : i32
          %sign3A_502 = arith.cmpi sgt, %jit3A_492, %sign3A_501 : i32
          %sign3A_503 = arith.extui %sign3A_502 : i1 to i32
          %sign3A_504 = arith.constant 0 : i32
          %sign3A_505 = arith.cmpi slt, %jit3A_492, %sign3A_504 : i32
          %sign3A_506 = arith.extui %sign3A_505 : i1 to i32
          %sign3A_507 = arith.subi %sign3A_503, %sign3A_506 : i32
          %ne3A_508 = arith.cmpi ne, %sign3A_500, %sign3A_507 : i32
          %rem3A_509 = arith.remsi %add3A_489, %jit3A_492 : i32
          %ne3A_510 = arith.constant 0 : i32
          %ne3A_511 = arith.cmpi ne, %rem3A_509, %ne3A_510 : i32
          %and3A_512 = arith.andi %ne3A_508, %ne3A_511 : i1
          %sub3A_513 = arith.constant 1 : i32
          %sub3A_514 = arith.subi %div3A_493, %sub3A_513 : i32
          %select_n3A_515 = arith.select %and3A_512, %sub3A_514, %div3A_493 : i32
          %add3A_516 = arith.addi %mul3A_491, %select_n3A_515 : i32
          %jit3A_517 = arith.constant 8 : i32
          %eq3A_518 = arith.constant 0 : i32
          %eq3A_519 = arith.cmpi eq, %jit3A_517, %eq3A_518 : i32
          %jit3A_520 = arith.constant 1 : i32
          %select_n3A_521 = arith.select %eq3A_519, %jit3A_520, %jit3A_517 : i32
          %rem3A_522 = arith.remsi %add3A_489, %select_n3A_521 : i32
          %ne3A_523 = arith.constant 0 : i32
          %ne3A_524 = arith.cmpi ne, %rem3A_522, %ne3A_523 : i32
          %lt3A_525 = arith.constant 0 : i32
          %lt3A_526 = arith.cmpi slt, %rem3A_522, %lt3A_525 : i32
          %lt3A_527 = arith.constant 0 : i32
          %lt3A_528 = arith.cmpi slt, %select_n3A_521, %lt3A_527 : i32
          %ne3A_529 = arith.xori %lt3A_526, %lt3A_528 : i1
          %and3A_530 = arith.andi %ne3A_529, %ne3A_524 : i1
          %add3A_531 = arith.addi %rem3A_522, %select_n3A_521 : i32
          %select_n3A_532 = arith.select %and3A_530, %add3A_531, %rem3A_522 : i32
          %mul3A_533 = arith.constant 16 : i32
          %mul3A_534 = arith.muli %select_n3A_532, %mul3A_533 : i32
          %get3A_535 = arith.index_cast %add3A_516 : i32 to index
          %get3A_536 = arith.index_cast %mul3A_534 : i32 to index
          %get3A_537 = tpu.vector_load %arg7[%get3A_535, %get3A_536] {strides = array<i32>} : memref<128x128xi32, #tpu.memory_space<vmem>>, vector<16xi32>,
          %gather3A_538 = tpu.vector_load_idx %arg6[%get3A_537] : memref<100000xf32, #tpu.memory_space<vmem>>[vector<16xi32>], vector<16xf32>,
          %mul3A_539 = arith.constant 16 : i32
          %mul3A_540 = arith.muli %scan3A_114, %mul3A_539 : i32
          %add3A_541 = arith.constant 8 : i32
          %add3A_542 = arith.addi %mul3A_540, %add3A_541 : i32
          %mul3A_543 = arith.constant 32 : i32
          %mul3A_544 = arith.muli %scan3A_73, %mul3A_543 : i32
          %jit3A_545 = arith.constant 8 : i32
          %div3A_546 = arith.divsi %add3A_542, %jit3A_545 : i32
          %sign3A_547 = arith.constant 0 : i32
          %sign3A_548 = arith.cmpi sgt, %add3A_542, %sign3A_547 : i32
          %sign3A_549 = arith.extui %sign3A_548 : i1 to i32
          %sign3A_550 = arith.constant 0 : i32
          %sign3A_551 = arith.cmpi slt, %add3A_542, %sign3A_550 : i32
          %sign3A_552 = arith.extui %sign3A_551 : i1 to i32
          %sign3A_553 = arith.subi %sign3A_549, %sign3A_552 : i32
          %sign3A_554 = arith.constant 0 : i32
          %sign3A_555 = arith.cmpi sgt, %jit3A_545, %sign3A_554 : i32
          %sign3A_556 = arith.extui %sign3A_555 : i1 to i32
          %sign3A_557 = arith.constant 0 : i32
          %sign3A_558 = arith.cmpi slt, %jit3A_545, %sign3A_557 : i32
          %sign3A_559 = arith.extui %sign3A_558 : i1 to i32
          %sign3A_560 = arith.subi %sign3A_556, %sign3A_559 : i32
          %ne3A_561 = arith.cmpi ne, %sign3A_553, %sign3A_560 : i32
          %rem3A_562 = arith.remsi %add3A_542, %jit3A_545 : i32
          %ne3A_563 = arith.constant 0 : i32
          %ne3A_564 = arith.cmpi ne, %rem3A_562, %ne3A_563 : i32
          %and3A_565 = arith.andi %ne3A_561, %ne3A_564 : i1
          %sub3A_566 = arith.constant 1 : i32
          %sub3A_567 = arith.subi %div3A_546, %sub3A_566 : i32
          %select_n3A_568 = arith.select %and3A_565, %sub3A_567, %div3A_546 : i32
          %add3A_569 = arith.addi %mul3A_544, %select_n3A_568 : i32
          %jit3A_570 = arith.constant 8 : i32
          %eq3A_571 = arith.constant 0 : i32
          %eq3A_572 = arith.cmpi eq, %jit3A_570, %eq3A_571 : i32
          %jit3A_573 = arith.constant 1 : i32
          %select_n3A_574 = arith.select %eq3A_572, %jit3A_573, %jit3A_570 : i32
          %rem3A_575 = arith.remsi %add3A_542, %select_n3A_574 : i32
          %ne3A_576 = arith.constant 0 : i32
          %ne3A_577 = arith.cmpi ne, %rem3A_575, %ne3A_576 : i32
          %lt3A_578 = arith.constant 0 : i32
          %lt3A_579 = arith.cmpi slt, %rem3A_575, %lt3A_578 : i32
          %lt3A_580 = arith.constant 0 : i32
          %lt3A_581 = arith.cmpi slt, %select_n3A_574, %lt3A_580 : i32
          %ne3A_582 = arith.xori %lt3A_579, %lt3A_581 : i1
          %and3A_583 = arith.andi %ne3A_582, %ne3A_577 : i1
          %add3A_584 = arith.addi %rem3A_575, %select_n3A_574 : i32
          %select_n3A_585 = arith.select %and3A_583, %add3A_584, %rem3A_575 : i32
          %mul3A_586 = arith.constant 16 : i32
          %mul3A_587 = arith.muli %select_n3A_585, %mul3A_586 : i32
          %get3A_588 = arith.index_cast %add3A_569 : i32 to index
          %get3A_589 = arith.index_cast %mul3A_587 : i32 to index
          %get3A_590 = tpu.vector_load %arg7[%get3A_588, %get3A_589] {strides = array<i32>} : memref<128x128xi32, #tpu.memory_space<vmem>>, vector<16xi32>,
          %gather3A_591 = tpu.vector_load_idx %arg6[%get3A_590] : memref<100000xf32, #tpu.memory_space<vmem>>[vector<16xi32>], vector<16xf32>,
          %mul3A_592 = arith.constant 16 : i32
          %mul3A_593 = arith.muli %scan3A_114, %mul3A_592 : i32
          %add3A_594 = arith.constant 9 : i32
          %add3A_595 = arith.addi %mul3A_593, %add3A_594 : i32
          %mul3A_596 = arith.constant 32 : i32
          %mul3A_597 = arith.muli %scan3A_73, %mul3A_596 : i32
          %jit3A_598 = arith.constant 8 : i32
          %div3A_599 = arith.divsi %add3A_595, %jit3A_598 : i32
          %sign3A_600 = arith.constant 0 : i32
          %sign3A_601 = arith.cmpi sgt, %add3A_595, %sign3A_600 : i32
          %sign3A_602 = arith.extui %sign3A_601 : i1 to i32
          %sign3A_603 = arith.constant 0 : i32
          %sign3A_604 = arith.cmpi slt, %add3A_595, %sign3A_603 : i32
          %sign3A_605 = arith.extui %sign3A_604 : i1 to i32
          %sign3A_606 = arith.subi %sign3A_602, %sign3A_605 : i32
          %sign3A_607 = arith.constant 0 : i32
          %sign3A_608 = arith.cmpi sgt, %jit3A_598, %sign3A_607 : i32
          %sign3A_609 = arith.extui %sign3A_608 : i1 to i32
          %sign3A_610 = arith.constant 0 : i32
          %sign3A_611 = arith.cmpi slt, %jit3A_598, %sign3A_610 : i32
          %sign3A_612 = arith.extui %sign3A_611 : i1 to i32
          %sign3A_613 = arith.subi %sign3A_609, %sign3A_612 : i32
          %ne3A_614 = arith.cmpi ne, %sign3A_606, %sign3A_613 : i32
          %rem3A_615 = arith.remsi %add3A_595, %jit3A_598 : i32
          %ne3A_616 = arith.constant 0 : i32
          %ne3A_617 = arith.cmpi ne, %rem3A_615, %ne3A_616 : i32
          %and3A_618 = arith.andi %ne3A_614, %ne3A_617 : i1
          %sub3A_619 = arith.constant 1 : i32
          %sub3A_620 = arith.subi %div3A_599, %sub3A_619 : i32
          %select_n3A_621 = arith.select %and3A_618, %sub3A_620, %div3A_599 : i32
          %add3A_622 = arith.addi %mul3A_597, %select_n3A_621 : i32
          %jit3A_623 = arith.constant 8 : i32
          %eq3A_624 = arith.constant 0 : i32
          %eq3A_625 = arith.cmpi eq, %jit3A_623, %eq3A_624 : i32
          %jit3A_626 = arith.constant 1 : i32
          %select_n3A_627 = arith.select %eq3A_625, %jit3A_626, %jit3A_623 : i32
          %rem3A_628 = arith.remsi %add3A_595, %select_n3A_627 : i32
          %ne3A_629 = arith.constant 0 : i32
          %ne3A_630 = arith.cmpi ne, %rem3A_628, %ne3A_629 : i32
          %lt3A_631 = arith.constant 0 : i32
          %lt3A_632 = arith.cmpi slt, %rem3A_628, %lt3A_631 : i32
          %lt3A_633 = arith.constant 0 : i32
          %lt3A_634 = arith.cmpi slt, %select_n3A_627, %lt3A_633 : i32
          %ne3A_635 = arith.xori %lt3A_632, %lt3A_634 : i1
          %and3A_636 = arith.andi %ne3A_635, %ne3A_630 : i1
          %add3A_637 = arith.addi %rem3A_628, %select_n3A_627 : i32
          %select_n3A_638 = arith.select %and3A_636, %add3A_637, %rem3A_628 : i32
          %mul3A_639 = arith.constant 16 : i32
          %mul3A_640 = arith.muli %select_n3A_638, %mul3A_639 : i32
          %get3A_641 = arith.index_cast %add3A_622 : i32 to index
          %get3A_642 = arith.index_cast %mul3A_640 : i32 to index
          %get3A_643 = tpu.vector_load %arg7[%get3A_641, %get3A_642] {strides = array<i32>} : memref<128x128xi32, #tpu.memory_space<vmem>>, vector<16xi32>,
          %gather3A_644 = tpu.vector_load_idx %arg6[%get3A_643] : memref<100000xf32, #tpu.memory_space<vmem>>[vector<16xi32>], vector<16xf32>,
          %mul3A_645 = arith.constant 16 : i32
          %mul3A_646 = arith.muli %scan3A_114, %mul3A_645 : i32
          %add3A_647 = arith.constant 10 : i32
          %add3A_648 = arith.addi %mul3A_646, %add3A_647 : i32
          %mul3A_649 = arith.constant 32 : i32
          %mul3A_650 = arith.muli %scan3A_73, %mul3A_649 : i32
          %jit3A_651 = arith.constant 8 : i32
          %div3A_652 = arith.divsi %add3A_648, %jit3A_651 : i32
          %sign3A_653 = arith.constant 0 : i32
          %sign3A_654 = arith.cmpi sgt, %add3A_648, %sign3A_653 : i32
          %sign3A_655 = arith.extui %sign3A_654 : i1 to i32
          %sign3A_656 = arith.constant 0 : i32
          %sign3A_657 = arith.cmpi slt, %add3A_648, %sign3A_656 : i32
          %sign3A_658 = arith.extui %sign3A_657 : i1 to i32
          %sign3A_659 = arith.subi %sign3A_655, %sign3A_658 : i32
          %sign3A_660 = arith.constant 0 : i32
          %sign3A_661 = arith.cmpi sgt, %jit3A_651, %sign3A_660 : i32
          %sign3A_662 = arith.extui %sign3A_661 : i1 to i32
          %sign3A_663 = arith.constant 0 : i32
          %sign3A_664 = arith.cmpi slt, %jit3A_651, %sign3A_663 : i32
          %sign3A_665 = arith.extui %sign3A_664 : i1 to i32
          %sign3A_666 = arith.subi %sign3A_662, %sign3A_665 : i32
          %ne3A_667 = arith.cmpi ne, %sign3A_659, %sign3A_666 : i32
          %rem3A_668 = arith.remsi %add3A_648, %jit3A_651 : i32
          %ne3A_669 = arith.constant 0 : i32
          %ne3A_670 = arith.cmpi ne, %rem3A_668, %ne3A_669 : i32
          %and3A_671 = arith.andi %ne3A_667, %ne3A_670 : i1
          %sub3A_672 = arith.constant 1 : i32
          %sub3A_673 = arith.subi %div3A_652, %sub3A_672 : i32
          %select_n3A_674 = arith.select %and3A_671, %sub3A_673, %div3A_652 : i32
          %add3A_675 = arith.addi %mul3A_650, %select_n3A_674 : i32
          %jit3A_676 = arith.constant 8 : i32
          %eq3A_677 = arith.constant 0 : i32
          %eq3A_678 = arith.cmpi eq, %jit3A_676, %eq3A_677 : i32
          %jit3A_679 = arith.constant 1 : i32
          %select_n3A_680 = arith.select %eq3A_678, %jit3A_679, %jit3A_676 : i32
          %rem3A_681 = arith.remsi %add3A_648, %select_n3A_680 : i32
          %ne3A_682 = arith.constant 0 : i32
          %ne3A_683 = arith.cmpi ne, %rem3A_681, %ne3A_682 : i32
          %lt3A_684 = arith.constant 0 : i32
          %lt3A_685 = arith.cmpi slt, %rem3A_681, %lt3A_684 : i32
          %lt3A_686 = arith.constant 0 : i32
          %lt3A_687 = arith.cmpi slt, %select_n3A_680, %lt3A_686 : i32
          %ne3A_688 = arith.xori %lt3A_685, %lt3A_687 : i1
          %and3A_689 = arith.andi %ne3A_688, %ne3A_683 : i1
          %add3A_690 = arith.addi %rem3A_681, %select_n3A_680 : i32
          %select_n3A_691 = arith.select %and3A_689, %add3A_690, %rem3A_681 : i32
          %mul3A_692 = arith.constant 16 : i32
          %mul3A_693 = arith.muli %select_n3A_691, %mul3A_692 : i32
          %get3A_694 = arith.index_cast %add3A_675 : i32 to index
          %get3A_695 = arith.index_cast %mul3A_693 : i32 to index
          %get3A_696 = tpu.vector_load %arg7[%get3A_694, %get3A_695] {strides = array<i32>} : memref<128x128xi32, #tpu.memory_space<vmem>>, vector<16xi32>,
          %gather3A_697 = tpu.vector_load_idx %arg6[%get3A_696] : memref<100000xf32, #tpu.memory_space<vmem>>[vector<16xi32>], vector<16xf32>,
          %mul3A_698 = arith.constant 16 : i32
          %mul3A_699 = arith.muli %scan3A_114, %mul3A_698 : i32
          %add3A_700 = arith.constant 11 : i32
          %add3A_701 = arith.addi %mul3A_699, %add3A_700 : i32
          %mul3A_702 = arith.constant 32 : i32
          %mul3A_703 = arith.muli %scan3A_73, %mul3A_702 : i32
          %jit3A_704 = arith.constant 8 : i32
          %div3A_705 = arith.divsi %add3A_701, %jit3A_704 : i32
          %sign3A_706 = arith.constant 0 : i32
          %sign3A_707 = arith.cmpi sgt, %add3A_701, %sign3A_706 : i32
          %sign3A_708 = arith.extui %sign3A_707 : i1 to i32
          %sign3A_709 = arith.constant 0 : i32
          %sign3A_710 = arith.cmpi slt, %add3A_701, %sign3A_709 : i32
          %sign3A_711 = arith.extui %sign3A_710 : i1 to i32
          %sign3A_712 = arith.subi %sign3A_708, %sign3A_711 : i32
          %sign3A_713 = arith.constant 0 : i32
          %sign3A_714 = arith.cmpi sgt, %jit3A_704, %sign3A_713 : i32
          %sign3A_715 = arith.extui %sign3A_714 : i1 to i32
          %sign3A_716 = arith.constant 0 : i32
          %sign3A_717 = arith.cmpi slt, %jit3A_704, %sign3A_716 : i32
          %sign3A_718 = arith.extui %sign3A_717 : i1 to i32
          %sign3A_719 = arith.subi %sign3A_715, %sign3A_718 : i32
          %ne3A_720 = arith.cmpi ne, %sign3A_712, %sign3A_719 : i32
          %rem3A_721 = arith.remsi %add3A_701, %jit3A_704 : i32
          %ne3A_722 = arith.constant 0 : i32
          %ne3A_723 = arith.cmpi ne, %rem3A_721, %ne3A_722 : i32
          %and3A_724 = arith.andi %ne3A_720, %ne3A_723 : i1
          %sub3A_725 = arith.constant 1 : i32
          %sub3A_726 = arith.subi %div3A_705, %sub3A_725 : i32
          %select_n3A_727 = arith.select %and3A_724, %sub3A_726, %div3A_705 : i32
          %add3A_728 = arith.addi %mul3A_703, %select_n3A_727 : i32
          %jit3A_729 = arith.constant 8 : i32
          %eq3A_730 = arith.constant 0 : i32
          %eq3A_731 = arith.cmpi eq, %jit3A_729, %eq3A_730 : i32
          %jit3A_732 = arith.constant 1 : i32
          %select_n3A_733 = arith.select %eq3A_731, %jit3A_732, %jit3A_729 : i32
          %rem3A_734 = arith.remsi %add3A_701, %select_n3A_733 : i32
          %ne3A_735 = arith.constant 0 : i32
          %ne3A_736 = arith.cmpi ne, %rem3A_734, %ne3A_735 : i32
          %lt3A_737 = arith.constant 0 : i32
          %lt3A_738 = arith.cmpi slt, %rem3A_734, %lt3A_737 : i32
          %lt3A_739 = arith.constant 0 : i32
          %lt3A_740 = arith.cmpi slt, %select_n3A_733, %lt3A_739 : i32
          %ne3A_741 = arith.xori %lt3A_738, %lt3A_740 : i1
          %and3A_742 = arith.andi %ne3A_741, %ne3A_736 : i1
          %add3A_743 = arith.addi %rem3A_734, %select_n3A_733 : i32
          %select_n3A_744 = arith.select %and3A_742, %add3A_743, %rem3A_734 : i32
          %mul3A_745 = arith.constant 16 : i32
          %mul3A_746 = arith.muli %select_n3A_744, %mul3A_745 : i32
          %get3A_747 = arith.index_cast %add3A_728 : i32 to index
          %get3A_748 = arith.index_cast %mul3A_746 : i32 to index
          %get3A_749 = tpu.vector_load %arg7[%get3A_747, %get3A_748] {strides = array<i32>} : memref<128x128xi32, #tpu.memory_space<vmem>>, vector<16xi32>,
          %gather3A_750 = tpu.vector_load_idx %arg6[%get3A_749] : memref<100000xf32, #tpu.memory_space<vmem>>[vector<16xi32>], vector<16xf32>,
          %mul3A_751 = arith.constant 16 : i32
          %mul3A_752 = arith.muli %scan3A_114, %mul3A_751 : i32
          %add3A_753 = arith.constant 12 : i32
          %add3A_754 = arith.addi %mul3A_752, %add3A_753 : i32
          %mul3A_755 = arith.constant 32 : i32
          %mul3A_756 = arith.muli %scan3A_73, %mul3A_755 : i32
          %jit3A_757 = arith.constant 8 : i32
          %div3A_758 = arith.divsi %add3A_754, %jit3A_757 : i32
          %sign3A_759 = arith.constant 0 : i32
          %sign3A_760 = arith.cmpi sgt, %add3A_754, %sign3A_759 : i32
          %sign3A_761 = arith.extui %sign3A_760 : i1 to i32
          %sign3A_762 = arith.constant 0 : i32
          %sign3A_763 = arith.cmpi slt, %add3A_754, %sign3A_762 : i32
          %sign3A_764 = arith.extui %sign3A_763 : i1 to i32
          %sign3A_765 = arith.subi %sign3A_761, %sign3A_764 : i32
          %sign3A_766 = arith.constant 0 : i32
          %sign3A_767 = arith.cmpi sgt, %jit3A_757, %sign3A_766 : i32
          %sign3A_768 = arith.extui %sign3A_767 : i1 to i32
          %sign3A_769 = arith.constant 0 : i32
          %sign3A_770 = arith.cmpi slt, %jit3A_757, %sign3A_769 : i32
          %sign3A_771 = arith.extui %sign3A_770 : i1 to i32
          %sign3A_772 = arith.subi %sign3A_768, %sign3A_771 : i32
          %ne3A_773 = arith.cmpi ne, %sign3A_765, %sign3A_772 : i32
          %rem3A_774 = arith.remsi %add3A_754, %jit3A_757 : i32
          %ne3A_775 = arith.constant 0 : i32
          %ne3A_776 = arith.cmpi ne, %rem3A_774, %ne3A_775 : i32
          %and3A_777 = arith.andi %ne3A_773, %ne3A_776 : i1
          %sub3A_778 = arith.constant 1 : i32
          %sub3A_779 = arith.subi %div3A_758, %sub3A_778 : i32
          %select_n3A_780 = arith.select %and3A_777, %sub3A_779, %div3A_758 : i32
          %add3A_781 = arith.addi %mul3A_756, %select_n3A_780 : i32
          %jit3A_782 = arith.constant 8 : i32
          %eq3A_783 = arith.constant 0 : i32
          %eq3A_784 = arith.cmpi eq, %jit3A_782, %eq3A_783 : i32
          %jit3A_785 = arith.constant 1 : i32
          %select_n3A_786 = arith.select %eq3A_784, %jit3A_785, %jit3A_782 : i32
          %rem3A_787 = arith.remsi %add3A_754, %select_n3A_786 : i32
          %ne3A_788 = arith.constant 0 : i32
          %ne3A_789 = arith.cmpi ne, %rem3A_787, %ne3A_788 : i32
          %lt3A_790 = arith.constant 0 : i32
          %lt3A_791 = arith.cmpi slt, %rem3A_787, %lt3A_790 : i32
          %lt3A_792 = arith.constant 0 : i32
          %lt3A_793 = arith.cmpi slt, %select_n3A_786, %lt3A_792 : i32
          %ne3A_794 = arith.xori %lt3A_791, %lt3A_793 : i1
          %and3A_795 = arith.andi %ne3A_794, %ne3A_789 : i1
          %add3A_796 = arith.addi %rem3A_787, %select_n3A_786 : i32
          %select_n3A_797 = arith.select %and3A_795, %add3A_796, %rem3A_787 : i32
          %mul3A_798 = arith.constant 16 : i32
          %mul3A_799 = arith.muli %select_n3A_797, %mul3A_798 : i32
          %get3A_800 = arith.index_cast %add3A_781 : i32 to index
          %get3A_801 = arith.index_cast %mul3A_799 : i32 to index
          %get3A_802 = tpu.vector_load %arg7[%get3A_800, %get3A_801] {strides = array<i32>} : memref<128x128xi32, #tpu.memory_space<vmem>>, vector<16xi32>,
          %gather3A_803 = tpu.vector_load_idx %arg6[%get3A_802] : memref<100000xf32, #tpu.memory_space<vmem>>[vector<16xi32>], vector<16xf32>,
          %mul3A_804 = arith.constant 16 : i32
          %mul3A_805 = arith.muli %scan3A_114, %mul3A_804 : i32
          %add3A_806 = arith.constant 13 : i32
          %add3A_807 = arith.addi %mul3A_805, %add3A_806 : i32
          %mul3A_808 = arith.constant 32 : i32
          %mul3A_809 = arith.muli %scan3A_73, %mul3A_808 : i32
          %jit3A_810 = arith.constant 8 : i32
          %div3A_811 = arith.divsi %add3A_807, %jit3A_810 : i32
          %sign3A_812 = arith.constant 0 : i32
          %sign3A_813 = arith.cmpi sgt, %add3A_807, %sign3A_812 : i32
          %sign3A_814 = arith.extui %sign3A_813 : i1 to i32
          %sign3A_815 = arith.constant 0 : i32
          %sign3A_816 = arith.cmpi slt, %add3A_807, %sign3A_815 : i32
          %sign3A_817 = arith.extui %sign3A_816 : i1 to i32
          %sign3A_818 = arith.subi %sign3A_814, %sign3A_817 : i32
          %sign3A_819 = arith.constant 0 : i32
          %sign3A_820 = arith.cmpi sgt, %jit3A_810, %sign3A_819 : i32
          %sign3A_821 = arith.extui %sign3A_820 : i1 to i32
          %sign3A_822 = arith.constant 0 : i32
          %sign3A_823 = arith.cmpi slt, %jit3A_810, %sign3A_822 : i32
          %sign3A_824 = arith.extui %sign3A_823 : i1 to i32
          %sign3A_825 = arith.subi %sign3A_821, %sign3A_824 : i32
          %ne3A_826 = arith.cmpi ne, %sign3A_818, %sign3A_825 : i32
          %rem3A_827 = arith.remsi %add3A_807, %jit3A_810 : i32
          %ne3A_828 = arith.constant 0 : i32
          %ne3A_829 = arith.cmpi ne, %rem3A_827, %ne3A_828 : i32
          %and3A_830 = arith.andi %ne3A_826, %ne3A_829 : i1
          %sub3A_831 = arith.constant 1 : i32
          %sub3A_832 = arith.subi %div3A_811, %sub3A_831 : i32
          %select_n3A_833 = arith.select %and3A_830, %sub3A_832, %div3A_811 : i32
          %add3A_834 = arith.addi %mul3A_809, %select_n3A_833 : i32
          %jit3A_835 = arith.constant 8 : i32
          %eq3A_836 = arith.constant 0 : i32
          %eq3A_837 = arith.cmpi eq, %jit3A_835, %eq3A_836 : i32
          %jit3A_838 = arith.constant 1 : i32
          %select_n3A_839 = arith.select %eq3A_837, %jit3A_838, %jit3A_835 : i32
          %rem3A_840 = arith.remsi %add3A_807, %select_n3A_839 : i32
          %ne3A_841 = arith.constant 0 : i32
          %ne3A_842 = arith.cmpi ne, %rem3A_840, %ne3A_841 : i32
          %lt3A_843 = arith.constant 0 : i32
          %lt3A_844 = arith.cmpi slt, %rem3A_840, %lt3A_843 : i32
          %lt3A_845 = arith.constant 0 : i32
          %lt3A_846 = arith.cmpi slt, %select_n3A_839, %lt3A_845 : i32
          %ne3A_847 = arith.xori %lt3A_844, %lt3A_846 : i1
          %and3A_848 = arith.andi %ne3A_847, %ne3A_842 : i1
          %add3A_849 = arith.addi %rem3A_840, %select_n3A_839 : i32
          %select_n3A_850 = arith.select %and3A_848, %add3A_849, %rem3A_840 : i32
          %mul3A_851 = arith.constant 16 : i32
          %mul3A_852 = arith.muli %select_n3A_850, %mul3A_851 : i32
          %get3A_853 = arith.index_cast %add3A_834 : i32 to index
          %get3A_854 = arith.index_cast %mul3A_852 : i32 to index
          %get3A_855 = tpu.vector_load %arg7[%get3A_853, %get3A_854] {strides = array<i32>} : memref<128x128xi32, #tpu.memory_space<vmem>>, vector<16xi32>,
          %gather3A_856 = tpu.vector_load_idx %arg6[%get3A_855] : memref<100000xf32, #tpu.memory_space<vmem>>[vector<16xi32>], vector<16xf32>,
          %mul3A_857 = arith.constant 16 : i32
          %mul3A_858 = arith.muli %scan3A_114, %mul3A_857 : i32
          %add3A_859 = arith.constant 14 : i32
          %add3A_860 = arith.addi %mul3A_858, %add3A_859 : i32
          %mul3A_861 = arith.constant 32 : i32
          %mul3A_862 = arith.muli %scan3A_73, %mul3A_861 : i32
          %jit3A_863 = arith.constant 8 : i32
          %div3A_864 = arith.divsi %add3A_860, %jit3A_863 : i32
          %sign3A_865 = arith.constant 0 : i32
          %sign3A_866 = arith.cmpi sgt, %add3A_860, %sign3A_865 : i32
          %sign3A_867 = arith.extui %sign3A_866 : i1 to i32
          %sign3A_868 = arith.constant 0 : i32
          %sign3A_869 = arith.cmpi slt, %add3A_860, %sign3A_868 : i32
          %sign3A_870 = arith.extui %sign3A_869 : i1 to i32
          %sign3A_871 = arith.subi %sign3A_867, %sign3A_870 : i32
          %sign3A_872 = arith.constant 0 : i32
          %sign3A_873 = arith.cmpi sgt, %jit3A_863, %sign3A_872 : i32
          %sign3A_874 = arith.extui %sign3A_873 : i1 to i32
          %sign3A_875 = arith.constant 0 : i32
          %sign3A_876 = arith.cmpi slt, %jit3A_863, %sign3A_875 : i32
          %sign3A_877 = arith.extui %sign3A_876 : i1 to i32
          %sign3A_878 = arith.subi %sign3A_874, %sign3A_877 : i32
          %ne3A_879 = arith.cmpi ne, %sign3A_871, %sign3A_878 : i32
          %rem3A_880 = arith.remsi %add3A_860, %jit3A_863 : i32
          %ne3A_881 = arith.constant 0 : i32
          %ne3A_882 = arith.cmpi ne, %rem3A_880, %ne3A_881 : i32
          %and3A_883 = arith.andi %ne3A_879, %ne3A_882 : i1
          %sub3A_884 = arith.constant 1 : i32
          %sub3A_885 = arith.subi %div3A_864, %sub3A_884 : i32
          %select_n3A_886 = arith.select %and3A_883, %sub3A_885, %div3A_864 : i32
          %add3A_887 = arith.addi %mul3A_862, %select_n3A_886 : i32
          %jit3A_888 = arith.constant 8 : i32
          %eq3A_889 = arith.constant 0 : i32
          %eq3A_890 = arith.cmpi eq, %jit3A_888, %eq3A_889 : i32
          %jit3A_891 = arith.constant 1 : i32
          %select_n3A_892 = arith.select %eq3A_890, %jit3A_891, %jit3A_888 : i32
          %rem3A_893 = arith.remsi %add3A_860, %select_n3A_892 : i32
          %ne3A_894 = arith.constant 0 : i32
          %ne3A_895 = arith.cmpi ne, %rem3A_893, %ne3A_894 : i32
          %lt3A_896 = arith.constant 0 : i32
          %lt3A_897 = arith.cmpi slt, %rem3A_893, %lt3A_896 : i32
          %lt3A_898 = arith.constant 0 : i32
          %lt3A_899 = arith.cmpi slt, %select_n3A_892, %lt3A_898 : i32
          %ne3A_900 = arith.xori %lt3A_897, %lt3A_899 : i1
          %and3A_901 = arith.andi %ne3A_900, %ne3A_895 : i1
          %add3A_902 = arith.addi %rem3A_893, %select_n3A_892 : i32
          %select_n3A_903 = arith.select %and3A_901, %add3A_902, %rem3A_893 : i32
          %mul3A_904 = arith.constant 16 : i32
          %mul3A_905 = arith.muli %select_n3A_903, %mul3A_904 : i32
          %get3A_906 = arith.index_cast %add3A_887 : i32 to index
          %get3A_907 = arith.index_cast %mul3A_905 : i32 to index
          %get3A_908 = tpu.vector_load %arg7[%get3A_906, %get3A_907] {strides = array<i32>} : memref<128x128xi32, #tpu.memory_space<vmem>>, vector<16xi32>,
          %gather3A_909 = tpu.vector_load_idx %arg6[%get3A_908] : memref<100000xf32, #tpu.memory_space<vmem>>[vector<16xi32>], vector<16xf32>,
          %mul3A_910 = arith.constant 16 : i32
          %mul3A_911 = arith.muli %scan3A_114, %mul3A_910 : i32
          %add3A_912 = arith.constant 15 : i32
          %add3A_913 = arith.addi %mul3A_911, %add3A_912 : i32
          %mul3A_914 = arith.constant 32 : i32
          %mul3A_915 = arith.muli %scan3A_73, %mul3A_914 : i32
          %jit3A_916 = arith.constant 8 : i32
          %div3A_917 = arith.divsi %add3A_913, %jit3A_916 : i32
          %sign3A_918 = arith.constant 0 : i32
          %sign3A_919 = arith.cmpi sgt, %add3A_913, %sign3A_918 : i32
          %sign3A_920 = arith.extui %sign3A_919 : i1 to i32
          %sign3A_921 = arith.constant 0 : i32
          %sign3A_922 = arith.cmpi slt, %add3A_913, %sign3A_921 : i32
          %sign3A_923 = arith.extui %sign3A_922 : i1 to i32
          %sign3A_924 = arith.subi %sign3A_920, %sign3A_923 : i32
          %sign3A_925 = arith.constant 0 : i32
          %sign3A_926 = arith.cmpi sgt, %jit3A_916, %sign3A_925 : i32
          %sign3A_927 = arith.extui %sign3A_926 : i1 to i32
          %sign3A_928 = arith.constant 0 : i32
          %sign3A_929 = arith.cmpi slt, %jit3A_916, %sign3A_928 : i32
          %sign3A_930 = arith.extui %sign3A_929 : i1 to i32
          %sign3A_931 = arith.subi %sign3A_927, %sign3A_930 : i32
          %ne3A_932 = arith.cmpi ne, %sign3A_924, %sign3A_931 : i32
          %rem3A_933 = arith.remsi %add3A_913, %jit3A_916 : i32
          %ne3A_934 = arith.constant 0 : i32
          %ne3A_935 = arith.cmpi ne, %rem3A_933, %ne3A_934 : i32
          %and3A_936 = arith.andi %ne3A_932, %ne3A_935 : i1
          %sub3A_937 = arith.constant 1 : i32
          %sub3A_938 = arith.subi %div3A_917, %sub3A_937 : i32
          %select_n3A_939 = arith.select %and3A_936, %sub3A_938, %div3A_917 : i32
          %add3A_940 = arith.addi %mul3A_915, %select_n3A_939 : i32
          %jit3A_941 = arith.constant 8 : i32
          %eq3A_942 = arith.constant 0 : i32
          %eq3A_943 = arith.cmpi eq, %jit3A_941, %eq3A_942 : i32
          %jit3A_944 = arith.constant 1 : i32
          %select_n3A_945 = arith.select %eq3A_943, %jit3A_944, %jit3A_941 : i32
          %rem3A_946 = arith.remsi %add3A_913, %select_n3A_945 : i32
          %ne3A_947 = arith.constant 0 : i32
          %ne3A_948 = arith.cmpi ne, %rem3A_946, %ne3A_947 : i32
          %lt3A_949 = arith.constant 0 : i32
          %lt3A_950 = arith.cmpi slt, %rem3A_946, %lt3A_949 : i32
          %lt3A_951 = arith.constant 0 : i32
          %lt3A_952 = arith.cmpi slt, %select_n3A_945, %lt3A_951 : i32
          %ne3A_953 = arith.xori %lt3A_950, %lt3A_952 : i1
          %and3A_954 = arith.andi %ne3A_953, %ne3A_948 : i1
          %add3A_955 = arith.addi %rem3A_946, %select_n3A_945 : i32
          %select_n3A_956 = arith.select %and3A_954, %add3A_955, %rem3A_946 : i32
          %mul3A_957 = arith.constant 16 : i32
          %mul3A_958 = arith.muli %select_n3A_956, %mul3A_957 : i32
          %get3A_959 = arith.index_cast %add3A_940 : i32 to index
          %get3A_960 = arith.index_cast %mul3A_958 : i32 to index
          %get3A_961 = tpu.vector_load %arg7[%get3A_959, %get3A_960] {strides = array<i32>} : memref<128x128xi32, #tpu.memory_space<vmem>>, vector<16xi32>,
          %gather3A_962 = tpu.vector_load_idx %arg6[%get3A_961] : memref<100000xf32, #tpu.memory_space<vmem>>[vector<16xi32>], vector<16xf32>,
          %mul3A_963 = arith.constant 16 : i32
          %mul3A_964 = arith.muli %scan3A_114, %mul3A_963 : i32
          %add3A_965 = arith.constant 0 : i32
          %add3A_966 = arith.addi %mul3A_964, %add3A_965 : i32
          %mul3A_967 = arith.constant 16 : i32
          %mul3A_968 = arith.muli %add3A_966, %mul3A_967 : i32
          %swap3A_969 = arith.index_cast %select_n3A_89 : i32 to index
          %swap3A_970 = arith.index_cast %mul3A_968 : i32 to index
          %swap3A_971 = tpu.vector_load %arg8[%swap3A_969, %swap3A_970] {strides = array<i32>} : memref<2x4096xf32, #tpu.memory_space<vmem>>, vector<16xf32>,
          tpu.vector_store %arg8[%swap3A_969, %swap3A_970], %gather3A {strides = array<i32>} : memref<2x4096xf32, #tpu.memory_space<vmem>>, vector<16xf32>,
          %add3A_972 = arith.addf %scan3A_115, %gather3A : vector<16xf32>
          %mul3A_973 = arith.mulf %gather3A, %gather3A : vector<16xf32>
          %add3A_974 = arith.addf %scan3A_116, %mul3A_973 : vector<16xf32>
          %mul3A_975 = arith.constant 16 : i32
          %mul3A_976 = arith.muli %scan3A_114, %mul3A_975 : i32
          %add3A_977 = arith.constant 1 : i32
          %add3A_978 = arith.addi %mul3A_976, %add3A_977 : i32
          %mul3A_979 = arith.constant 16 : i32
          %mul3A_980 = arith.muli %add3A_978, %mul3A_979 : i32
          %swap3A_981 = arith.index_cast %select_n3A_89 : i32 to index
          %swap3A_982 = arith.index_cast %mul3A_980 : i32 to index
          %swap3A_983 = tpu.vector_load %arg8[%swap3A_981, %swap3A_982] {strides = array<i32>} : memref<2x4096xf32, #tpu.memory_space<vmem>>, vector<16xf32>,
          tpu.vector_store %arg8[%swap3A_981, %swap3A_982], %gather3A_220 {strides = array<i32>} : memref<2x4096xf32, #tpu.memory_space<vmem>>, vector<16xf32>,
          %add3A_984 = arith.addf %add3A_972, %gather3A_220 : vector<16xf32>
          %mul3A_985 = arith.mulf %gather3A_220, %gather3A_220 : vector<16xf32>
          %add3A_986 = arith.addf %add3A_974, %mul3A_985 : vector<16xf32>
          %mul3A_987 = arith.constant 16 : i32
          %mul3A_988 = arith.muli %scan3A_114, %mul3A_987 : i32
          %add3A_989 = arith.constant 2 : i32
          %add3A_990 = arith.addi %mul3A_988, %add3A_989 : i32
          %mul3A_991 = arith.constant 16 : i32
          %mul3A_992 = arith.muli %add3A_990, %mul3A_991 : i32
          %swap3A_993 = arith.index_cast %select_n3A_89 : i32 to index
          %swap3A_994 = arith.index_cast %mul3A_992 : i32 to index
          %swap3A_995 = tpu.vector_load %arg8[%swap3A_993, %swap3A_994] {strides = array<i32>} : memref<2x4096xf32, #tpu.memory_space<vmem>>, vector<16xf32>,
          tpu.vector_store %arg8[%swap3A_993, %swap3A_994], %gather3A_273 {strides = array<i32>} : memref<2x4096xf32, #tpu.memory_space<vmem>>, vector<16xf32>,
          %add3A_996 = arith.addf %add3A_984, %gather3A_273 : vector<16xf32>
          %mul3A_997 = arith.mulf %gather3A_273, %gather3A_273 : vector<16xf32>
          %add3A_998 = arith.addf %add3A_986, %mul3A_997 : vector<16xf32>
          %mul3A_999 = arith.constant 16 : i32
          %mul3A_1000 = arith.muli %scan3A_114, %mul3A_999 : i32
          %add3A_1001 = arith.constant 3 : i32
          %add3A_1002 = arith.addi %mul3A_1000, %add3A_1001 : i32
          %mul3A_1003 = arith.constant 16 : i32
          %mul3A_1004 = arith.muli %add3A_1002, %mul3A_1003 : i32
          %swap3A_1005 = arith.index_cast %select_n3A_89 : i32 to index
          %swap3A_1006 = arith.index_cast %mul3A_1004 : i32 to index
          %swap3A_1007 = tpu.vector_load %arg8[%swap3A_1005, %swap3A_1006] {strides = array<i32>} : memref<2x4096xf32, #tpu.memory_space<vmem>>, vector<16xf32>,
          tpu.vector_store %arg8[%swap3A_1005, %swap3A_1006], %gather3A_326 {strides = array<i32>} : memref<2x4096xf32, #tpu.memory_space<vmem>>, vector<16xf32>,
          %add3A_1008 = arith.addf %add3A_996, %gather3A_326 : vector<16xf32>
          %mul3A_1009 = arith.mulf %gather3A_326, %gather3A_326 : vector<16xf32>
          %add3A_1010 = arith.addf %add3A_998, %mul3A_1009 : vector<16xf32>
          %mul3A_1011 = arith.constant 16 : i32
          %mul3A_1012 = arith.muli %scan3A_114, %mul3A_1011 : i32
          %add3A_1013 = arith.constant 4 : i32
          %add3A_1014 = arith.addi %mul3A_1012, %add3A_1013 : i32
          %mul3A_1015 = arith.constant 16 : i32
          %mul3A_1016 = arith.muli %add3A_1014, %mul3A_1015 : i32
          %swap3A_1017 = arith.index_cast %select_n3A_89 : i32 to index
          %swap3A_1018 = arith.index_cast %mul3A_1016 : i32 to index
          %swap3A_1019 = tpu.vector_load %arg8[%swap3A_1017, %swap3A_1018] {strides = array<i32>} : memref<2x4096xf32, #tpu.memory_space<vmem>>, vector<16xf32>,
          tpu.vector_store %arg8[%swap3A_1017, %swap3A_1018], %gather3A_379 {strides = array<i32>} : memref<2x4096xf32, #tpu.memory_space<vmem>>, vector<16xf32>,
          %add3A_1020 = arith.addf %add3A_1008, %gather3A_379 : vector<16xf32>
          %mul3A_1021 = arith.mulf %gather3A_379, %gather3A_379 : vector<16xf32>
          %add3A_1022 = arith.addf %add3A_1010, %mul3A_1021 : vector<16xf32>
          %mul3A_1023 = arith.constant 16 : i32
          %mul3A_1024 = arith.muli %scan3A_114, %mul3A_1023 : i32
          %add3A_1025 = arith.constant 5 : i32
          %add3A_1026 = arith.addi %mul3A_1024, %add3A_1025 : i32
          %mul3A_1027 = arith.constant 16 : i32
          %mul3A_1028 = arith.muli %add3A_1026, %mul3A_1027 : i32
          %swap3A_1029 = arith.index_cast %select_n3A_89 : i32 to index
          %swap3A_1030 = arith.index_cast %mul3A_1028 : i32 to index
          %swap3A_1031 = tpu.vector_load %arg8[%swap3A_1029, %swap3A_1030] {strides = array<i32>} : memref<2x4096xf32, #tpu.memory_space<vmem>>, vector<16xf32>,
          tpu.vector_store %arg8[%swap3A_1029, %swap3A_1030], %gather3A_432 {strides = array<i32>} : memref<2x4096xf32, #tpu.memory_space<vmem>>, vector<16xf32>,
          %add3A_1032 = arith.addf %add3A_1020, %gather3A_432 : vector<16xf32>
          %mul3A_1033 = arith.mulf %gather3A_432, %gather3A_432 : vector<16xf32>
          %add3A_1034 = arith.addf %add3A_1022, %mul3A_1033 : vector<16xf32>
          %mul3A_1035 = arith.constant 16 : i32
          %mul3A_1036 = arith.muli %scan3A_114, %mul3A_1035 : i32
          %add3A_1037 = arith.constant 6 : i32
          %add3A_1038 = arith.addi %mul3A_1036, %add3A_1037 : i32
          %mul3A_1039 = arith.constant 16 : i32
          %mul3A_1040 = arith.muli %add3A_1038, %mul3A_1039 : i32
          %swap3A_1041 = arith.index_cast %select_n3A_89 : i32 to index
          %swap3A_1042 = arith.index_cast %mul3A_1040 : i32 to index
          %swap3A_1043 = tpu.vector_load %arg8[%swap3A_1041, %swap3A_1042] {strides = array<i32>} : memref<2x4096xf32, #tpu.memory_space<vmem>>, vector<16xf32>,
          tpu.vector_store %arg8[%swap3A_1041, %swap3A_1042], %gather3A_485 {strides = array<i32>} : memref<2x4096xf32, #tpu.memory_space<vmem>>, vector<16xf32>,
          %add3A_1044 = arith.addf %add3A_1032, %gather3A_485 : vector<16xf32>
          %mul3A_1045 = arith.mulf %gather3A_485, %gather3A_485 : vector<16xf32>
          %add3A_1046 = arith.addf %add3A_1034, %mul3A_1045 : vector<16xf32>
          %mul3A_1047 = arith.constant 16 : i32
          %mul3A_1048 = arith.muli %scan3A_114, %mul3A_1047 : i32
          %add3A_1049 = arith.constant 7 : i32
          %add3A_1050 = arith.addi %mul3A_1048, %add3A_1049 : i32
          %mul3A_1051 = arith.constant 16 : i32
          %mul3A_1052 = arith.muli %add3A_1050, %mul3A_1051 : i32
          %swap3A_1053 = arith.index_cast %select_n3A_89 : i32 to index
          %swap3A_1054 = arith.index_cast %mul3A_1052 : i32 to index
          %swap3A_1055 = tpu.vector_load %arg8[%swap3A_1053, %swap3A_1054] {strides = array<i32>} : memref<2x4096xf32, #tpu.memory_space<vmem>>, vector<16xf32>,
          tpu.vector_store %arg8[%swap3A_1053, %swap3A_1054], %gather3A_538 {strides = array<i32>} : memref<2x4096xf32, #tpu.memory_space<vmem>>, vector<16xf32>,
          %add3A_1056 = arith.addf %add3A_1044, %gather3A_538 : vector<16xf32>
          %mul3A_1057 = arith.mulf %gather3A_538, %gather3A_538 : vector<16xf32>
          %add3A_1058 = arith.addf %add3A_1046, %mul3A_1057 : vector<16xf32>
          %mul3A_1059 = arith.constant 16 : i32
          %mul3A_1060 = arith.muli %scan3A_114, %mul3A_1059 : i32
          %add3A_1061 = arith.constant 8 : i32
          %add3A_1062 = arith.addi %mul3A_1060, %add3A_1061 : i32
          %mul3A_1063 = arith.constant 16 : i32
          %mul3A_1064 = arith.muli %add3A_1062, %mul3A_1063 : i32
          %swap3A_1065 = arith.index_cast %select_n3A_89 : i32 to index
          %swap3A_1066 = arith.index_cast %mul3A_1064 : i32 to index
          %swap3A_1067 = tpu.vector_load %arg8[%swap3A_1065, %swap3A_1066] {strides = array<i32>} : memref<2x4096xf32, #tpu.memory_space<vmem>>, vector<16xf32>,
          tpu.vector_store %arg8[%swap3A_1065, %swap3A_1066], %gather3A_591 {strides = array<i32>} : memref<2x4096xf32, #tpu.memory_space<vmem>>, vector<16xf32>,
          %add3A_1068 = arith.addf %add3A_1056, %gather3A_591 : vector<16xf32>
          %mul3A_1069 = arith.mulf %gather3A_591, %gather3A_591 : vector<16xf32>
          %add3A_1070 = arith.addf %add3A_1058, %mul3A_1069 : vector<16xf32>
          %mul3A_1071 = arith.constant 16 : i32
          %mul3A_1072 = arith.muli %scan3A_114, %mul3A_1071 : i32
          %add3A_1073 = arith.constant 9 : i32
          %add3A_1074 = arith.addi %mul3A_1072, %add3A_1073 : i32
          %mul3A_1075 = arith.constant 16 : i32
          %mul3A_1076 = arith.muli %add3A_1074, %mul3A_1075 : i32
          %swap3A_1077 = arith.index_cast %select_n3A_89 : i32 to index
          %swap3A_1078 = arith.index_cast %mul3A_1076 : i32 to index
          %swap3A_1079 = tpu.vector_load %arg8[%swap3A_1077, %swap3A_1078] {strides = array<i32>} : memref<2x4096xf32, #tpu.memory_space<vmem>>, vector<16xf32>,
          tpu.vector_store %arg8[%swap3A_1077, %swap3A_1078], %gather3A_644 {strides = array<i32>} : memref<2x4096xf32, #tpu.memory_space<vmem>>, vector<16xf32>,
          %add3A_1080 = arith.addf %add3A_1068, %gather3A_644 : vector<16xf32>
          %mul3A_1081 = arith.mulf %gather3A_644, %gather3A_644 : vector<16xf32>
          %add3A_1082 = arith.addf %add3A_1070, %mul3A_1081 : vector<16xf32>
          %mul3A_1083 = arith.constant 16 : i32
          %mul3A_1084 = arith.muli %scan3A_114, %mul3A_1083 : i32
          %add3A_1085 = arith.constant 10 : i32
          %add3A_1086 = arith.addi %mul3A_1084, %add3A_1085 : i32
          %mul3A_1087 = arith.constant 16 : i32
          %mul3A_1088 = arith.muli %add3A_1086, %mul3A_1087 : i32
          %swap3A_1089 = arith.index_cast %select_n3A_89 : i32 to index
          %swap3A_1090 = arith.index_cast %mul3A_1088 : i32 to index
          %swap3A_1091 = tpu.vector_load %arg8[%swap3A_1089, %swap3A_1090] {strides = array<i32>} : memref<2x4096xf32, #tpu.memory_space<vmem>>, vector<16xf32>,
          tpu.vector_store %arg8[%swap3A_1089, %swap3A_1090], %gather3A_697 {strides = array<i32>} : memref<2x4096xf32, #tpu.memory_space<vmem>>, vector<16xf32>,
          %add3A_1092 = arith.addf %add3A_1080, %gather3A_697 : vector<16xf32>
          %mul3A_1093 = arith.mulf %gather3A_697, %gather3A_697 : vector<16xf32>
          %add3A_1094 = arith.addf %add3A_1082, %mul3A_1093 : vector<16xf32>
          %mul3A_1095 = arith.constant 16 : i32
          %mul3A_1096 = arith.muli %scan3A_114, %mul3A_1095 : i32
          %add3A_1097 = arith.constant 11 : i32
          %add3A_1098 = arith.addi %mul3A_1096, %add3A_1097 : i32
          %mul3A_1099 = arith.constant 16 : i32
          %mul3A_1100 = arith.muli %add3A_1098, %mul3A_1099 : i32
          %swap3A_1101 = arith.index_cast %select_n3A_89 : i32 to index
          %swap3A_1102 = arith.index_cast %mul3A_1100 : i32 to index
          %swap3A_1103 = tpu.vector_load %arg8[%swap3A_1101, %swap3A_1102] {strides = array<i32>} : memref<2x4096xf32, #tpu.memory_space<vmem>>, vector<16xf32>,
          tpu.vector_store %arg8[%swap3A_1101, %swap3A_1102], %gather3A_750 {strides = array<i32>} : memref<2x4096xf32, #tpu.memory_space<vmem>>, vector<16xf32>,
          %add3A_1104 = arith.addf %add3A_1092, %gather3A_750 : vector<16xf32>
          %mul3A_1105 = arith.mulf %gather3A_750, %gather3A_750 : vector<16xf32>
          %add3A_1106 = arith.addf %add3A_1094, %mul3A_1105 : vector<16xf32>
          %mul3A_1107 = arith.constant 16 : i32
          %mul3A_1108 = arith.muli %scan3A_114, %mul3A_1107 : i32
          %add3A_1109 = arith.constant 12 : i32
          %add3A_1110 = arith.addi %mul3A_1108, %add3A_1109 : i32
          %mul3A_1111 = arith.constant 16 : i32
          %mul3A_1112 = arith.muli %add3A_1110, %mul3A_1111 : i32
          %swap3A_1113 = arith.index_cast %select_n3A_89 : i32 to index
          %swap3A_1114 = arith.index_cast %mul3A_1112 : i32 to index
          %swap3A_1115 = tpu.vector_load %arg8[%swap3A_1113, %swap3A_1114] {strides = array<i32>} : memref<2x4096xf32, #tpu.memory_space<vmem>>, vector<16xf32>,
          tpu.vector_store %arg8[%swap3A_1113, %swap3A_1114], %gather3A_803 {strides = array<i32>} : memref<2x4096xf32, #tpu.memory_space<vmem>>, vector<16xf32>,
          %add3A_1116 = arith.addf %add3A_1104, %gather3A_803 : vector<16xf32>
          %mul3A_1117 = arith.mulf %gather3A_803, %gather3A_803 : vector<16xf32>
          %add3A_1118 = arith.addf %add3A_1106, %mul3A_1117 : vector<16xf32>
          %mul3A_1119 = arith.constant 16 : i32
          %mul3A_1120 = arith.muli %scan3A_114, %mul3A_1119 : i32
          %add3A_1121 = arith.constant 13 : i32
          %add3A_1122 = arith.addi %mul3A_1120, %add3A_1121 : i32
          %mul3A_1123 = arith.constant 16 : i32
          %mul3A_1124 = arith.muli %add3A_1122, %mul3A_1123 : i32
          %swap3A_1125 = arith.index_cast %select_n3A_89 : i32 to index
          %swap3A_1126 = arith.index_cast %mul3A_1124 : i32 to index
          %swap3A_1127 = tpu.vector_load %arg8[%swap3A_1125, %swap3A_1126] {strides = array<i32>} : memref<2x4096xf32, #tpu.memory_space<vmem>>, vector<16xf32>,
          tpu.vector_store %arg8[%swap3A_1125, %swap3A_1126], %gather3A_856 {strides = array<i32>} : memref<2x4096xf32, #tpu.memory_space<vmem>>, vector<16xf32>,
          %add3A_1128 = arith.addf %add3A_1116, %gather3A_856 : vector<16xf32>
          %mul3A_1129 = arith.mulf %gather3A_856, %gather3A_856 : vector<16xf32>
          %add3A_1130 = arith.addf %add3A_1118, %mul3A_1129 : vector<16xf32>
          %mul3A_1131 = arith.constant 16 : i32
          %mul3A_1132 = arith.muli %scan3A_114, %mul3A_1131 : i32
          %add3A_1133 = arith.constant 14 : i32
          %add3A_1134 = arith.addi %mul3A_1132, %add3A_1133 : i32
          %mul3A_1135 = arith.constant 16 : i32
          %mul3A_1136 = arith.muli %add3A_1134, %mul3A_1135 : i32
          %swap3A_1137 = arith.index_cast %select_n3A_89 : i32 to index
          %swap3A_1138 = arith.index_cast %mul3A_1136 : i32 to index
          %swap3A_1139 = tpu.vector_load %arg8[%swap3A_1137, %swap3A_1138] {strides = array<i32>} : memref<2x4096xf32, #tpu.memory_space<vmem>>, vector<16xf32>,
          tpu.vector_store %arg8[%swap3A_1137, %swap3A_1138], %gather3A_909 {strides = array<i32>} : memref<2x4096xf32, #tpu.memory_space<vmem>>, vector<16xf32>,
          %add3A_1140 = arith.addf %add3A_1128, %gather3A_909 : vector<16xf32>
          %mul3A_1141 = arith.mulf %gather3A_909, %gather3A_909 : vector<16xf32>
          %add3A_1142 = arith.addf %add3A_1130, %mul3A_1141 : vector<16xf32>
          %mul3A_1143 = arith.constant 16 : i32
          %mul3A_1144 = arith.muli %scan3A_114, %mul3A_1143 : i32
          %add3A_1145 = arith.constant 15 : i32
          %add3A_1146 = arith.addi %mul3A_1144, %add3A_1145 : i32
          %mul3A_1147 = arith.constant 16 : i32
          %mul3A_1148 = arith.muli %add3A_1146, %mul3A_1147 : i32
          %swap3A_1149 = arith.index_cast %select_n3A_89 : i32 to index
          %swap3A_1150 = arith.index_cast %mul3A_1148 : i32 to index
          %swap3A_1151 = tpu.vector_load %arg8[%swap3A_1149, %swap3A_1150] {strides = array<i32>} : memref<2x4096xf32, #tpu.memory_space<vmem>>, vector<16xf32>,
          tpu.vector_store %arg8[%swap3A_1149, %swap3A_1150], %gather3A_962 {strides = array<i32>} : memref<2x4096xf32, #tpu.memory_space<vmem>>, vector<16xf32>,
          %add3A_1152 = arith.addf %add3A_1140, %gather3A_962 : vector<16xf32>
          %mul3A_1153 = arith.mulf %gather3A_962, %gather3A_962 : vector<16xf32>
          %add3A_1154 = arith.addf %add3A_1142, %mul3A_1153 : vector<16xf32>
          scf.yield %add3A_1152, %add3A_1154 : vector<16xf32>, vector<16xf32>
        }
        %scan3A_102 = arith.constant 16 : i32
        %mul3A_103 = arith.constant 4096 : i32
        %mul3A_104 = arith.muli %scan3A_73, %mul3A_103 : i32
        %dma_start3A = arith.constant 0 : i32
        %dma_start3A_105 = tpu.memref_slice %arg8[%select_n3A_89, %dma_start3A] : memref<2x4096xf32, #tpu.memory_space<vmem>> -> memref<1x4096xf32, #tpu.memory_space<vmem>>
        %dma_start3A_106 = tpu.memref_squeeze %dma_start3A_105 : memref<1x4096xf32, #tpu.memory_space<vmem>> -> memref<4096xf32, #tpu.memory_space<vmem>>
        %dma_start3A_107 = tpu.memref_slice %arg4[%add3A_38, %mul3A_104] : memref<832x16384xf32, #tpu.memory_space<hbm>> -> memref<1x4096xf32, #tpu.memory_space<hbm>>
        %dma_start3A_108 = tpu.memref_squeeze %dma_start3A_107 : memref<1x4096xf32, #tpu.memory_space<hbm>> -> memref<4096xf32, #tpu.memory_space<hbm>>
        %dma_start3A_109 = tpu.memref_slice %arg4[%add3A_38, %mul3A_104] : memref<832x16384xf32, #tpu.memory_space<hbm>> -> memref<1x4096xf32, #tpu.memory_space<hbm>>
        %dma_start3A_110 = tpu.memref_squeeze %dma_start3A_109 : memref<1x4096xf32, #tpu.memory_space<hbm>> -> memref<4096xf32, #tpu.memory_space<hbm>>
        %dma_start3A_111 = arith.constant 0 : i32
        %dma_start3A_112 = tpu.memref_slice %arg8[%select_n3A_89, %dma_start3A_111] : memref<2x4096xf32, #tpu.memory_space<vmem>> -> memref<1x4096xf32, #tpu.memory_space<vmem>>
        %dma_start3A_113 = tpu.memref_squeeze %dma_start3A_112 : memref<1x4096xf32, #tpu.memory_space<vmem>> -> memref<4096xf32, #tpu.memory_space<vmem>>
        tpu.enqueue_dma source(%dma_start3A_113 : memref<4096xf32, #tpu.memory_space<vmem>>) target(%dma_start3A_110 : memref<4096xf32, #tpu.memory_space<hbm>>) target_semaphore(%arg10 : memref<!tpu.dma_semaphore, #tpu.memory_space<semaphore_mem>>)
        scf.yield %scan3A_101#0, %scan3A_101#1 : vector<16xf32>, vector<16xf32>
      }
      %scan3A_63 = arith.constant 4 : i32
      %mul3A_64 = arith.constant 32 : i32
      %mul3A_65 = arith.muli %scan3A_34, %mul3A_64 : i32
      %swap3A = arith.index_cast %mul3A_65 : i32 to index
      %swap3A_66 = tpu.vector_load %arg9[%swap3A] {strides = array<i32>} : memref<832xf32, #tpu.memory_space<vmem>>, vector<16xf32>,
      tpu.vector_store %arg9[%swap3A], %scan3A_62#0 {strides = array<i32>} : memref<832xf32, #tpu.memory_space<vmem>>, vector<16xf32>,
      %mul3A_67 = arith.constant 32 : i32
      %mul3A_68 = arith.muli %scan3A_34, %mul3A_67 : i32
      %add3A_69 = arith.constant 16 : i32
      %add3A_70 = arith.addi %mul3A_68, %add3A_69 : i32
      %swap3A_71 = arith.index_cast %add3A_70 : i32 to index
      %swap3A_72 = tpu.vector_load %arg9[%swap3A_71] {strides = array<i32>} : memref<832xf32, #tpu.memory_space<vmem>>, vector<16xf32>,
      tpu.vector_store %arg9[%swap3A_71], %scan3A_62#1 {strides = array<i32>} : memref<832xf32, #tpu.memory_space<vmem>>, vector<16xf32>,
      scf.yield %select_n3A : i32
    }
    %scan3A_6 = arith.constant 26 : i32
    "tpu.region"() ({
      %run_scoped3A = tpu.sem_alloc : memref<!tpu.dma_semaphore, #tpu.memory_space<semaphore_mem>>
      %dma_start3A = arith.constant 0 : i32
      %dma_start3A_34 = tpu.memref_slice %arg5[%add3A, %dma_start3A] : memref<32x832xf32, #tpu.memory_space<hbm>> -> memref<1x832xf32, #tpu.memory_space<hbm>>
      %dma_start3A_35 = tpu.memref_squeeze %dma_start3A_34 : memref<1x832xf32, #tpu.memory_space<hbm>> -> memref<832xf32, #tpu.memory_space<hbm>>
      %dma_start3A_36 = arith.constant 0 : i32
      %dma_start3A_37 = tpu.memref_slice %arg5[%add3A, %dma_start3A_36] : memref<32x832xf32, #tpu.memory_space<hbm>> -> memref<1x832xf32, #tpu.memory_space<hbm>>
      %dma_start3A_38 = tpu.memref_squeeze %dma_start3A_37 : memref<1x832xf32, #tpu.memory_space<hbm>> -> memref<832xf32, #tpu.memory_space<hbm>>
      tpu.enqueue_dma source(%arg9 : memref<832xf32, #tpu.memory_space<vmem>>) target(%dma_start3A_38 : memref<832xf32, #tpu.memory_space<hbm>>) target_semaphore(%run_scoped3A : memref<!tpu.dma_semaphore, #tpu.memory_space<semaphore_mem>>)
      %dma_wait3A_39 = arith.constant 0 : i32
      %dma_wait3A_40 = tpu.memref_slice %arg5[%add3A, %dma_wait3A_39] : memref<32x832xf32, #tpu.memory_space<hbm>> -> memref<1x832xf32, #tpu.memory_space<hbm>>
      %dma_wait3A_41 = tpu.memref_squeeze %dma_wait3A_40 : memref<1x832xf32, #tpu.memory_space<hbm>> -> memref<832xf32, #tpu.memory_space<hbm>>
      %dma_wait3A_42 = arith.constant 0 : i32
      %dma_wait3A_43 = tpu.memref_slice %arg5[%add3A, %dma_wait3A_42] : memref<32x832xf32, #tpu.memory_space<hbm>> -> memref<1x832xf32, #tpu.memory_space<hbm>>
      %dma_wait3A_44 = tpu.memref_squeeze %dma_wait3A_43 : memref<1x832xf32, #tpu.memory_space<hbm>> -> memref<832xf32, #tpu.memory_space<hbm>>
      tpu.wait_dma2 semaphore(%run_scoped3A : memref<!tpu.dma_semaphore, #tpu.memory_space<semaphore_mem>>) src(%arg9 : memref<832xf32, #tpu.memory_space<vmem>>) dst(%dma_wait3A_44 : memref<832xf32, #tpu.memory_space<hbm>>)
      tpu.yield
    }) : () -> ()
    %dma_wait3A = arith.constant 0 : i32
    %dma_wait3A_7 = arith.constant 0 : i32
    %dma_wait3A_8 = arith.constant 0 : i32
    %dma_wait3A_9 = tpu.memref_slice %arg8[%dma_wait3A, %dma_wait3A_8] : memref<2x4096xf32, #tpu.memory_space<vmem>> -> memref<1x4096xf32, #tpu.memory_space<vmem>>
    %dma_wait3A_10 = tpu.memref_squeeze %dma_wait3A_9 : memref<1x4096xf32, #tpu.memory_space<vmem>> -> memref<4096xf32, #tpu.memory_space<vmem>>
    %dma_wait3A_11 = arith.constant 0 : i32
    %dma_wait3A_12 = tpu.memref_slice %arg4[%dma_wait3A_7, %dma_wait3A_11] : memref<832x16384xf32, #tpu.memory_space<hbm>> -> memref<1x4096xf32, #tpu.memory_space<hbm>>
    %dma_wait3A_13 = tpu.memref_squeeze %dma_wait3A_12 : memref<1x4096xf32, #tpu.memory_space<hbm>> -> memref<4096xf32, #tpu.memory_space<hbm>>
    %dma_wait3A_14 = arith.constant 0 : i32
    %dma_wait3A_15 = tpu.memref_slice %arg4[%dma_wait3A_7, %dma_wait3A_14] : memref<832x16384xf32, #tpu.memory_space<hbm>> -> memref<1x4096xf32, #tpu.memory_space<hbm>>
    %dma_wait3A_16 = tpu.memref_squeeze %dma_wait3A_15 : memref<1x4096xf32, #tpu.memory_space<hbm>> -> memref<4096xf32, #tpu.memory_space<hbm>>
    %dma_wait3A_17 = arith.constant 0 : i32
    %dma_wait3A_18 = tpu.memref_slice %arg8[%dma_wait3A, %dma_wait3A_17] : memref<2x4096xf32, #tpu.memory_space<vmem>> -> memref<1x4096xf32, #tpu.memory_space<vmem>>
    %dma_wait3A_19 = tpu.memref_squeeze %dma_wait3A_18 : memref<1x4096xf32, #tpu.memory_space<vmem>> -> memref<4096xf32, #tpu.memory_space<vmem>>
    tpu.wait_dma2 semaphore(%arg10 : memref<!tpu.dma_semaphore, #tpu.memory_space<semaphore_mem>>) src(%dma_wait3A_19 : memref<4096xf32, #tpu.memory_space<vmem>>) dst(%dma_wait3A_16 : memref<4096xf32, #tpu.memory_space<hbm>>)
    %dma_wait3A_20 = arith.constant 0 : i32
    %dma_wait3A_21 = arith.constant 0 : i32
    %dma_wait3A_22 = arith.constant 0 : i32
    %dma_wait3A_23 = tpu.memref_slice %arg8[%dma_wait3A_20, %dma_wait3A_22] : memref<2x4096xf32, #tpu.memory_space<vmem>> -> memref<1x4096xf32, #tpu.memory_space<vmem>>
    %dma_wait3A_24 = tpu.memref_squeeze %dma_wait3A_23 : memref<1x4096xf32, #tpu.memory_space<vmem>> -> memref<4096xf32, #tpu.memory_space<vmem>>
    %dma_wait3A_25 = arith.constant 0 : i32
    %dma_wait3A_26 = tpu.memref_slice %arg4[%dma_wait3A_21, %dma_wait3A_25] : memref<832x16384xf32, #tpu.memory_space<hbm>> -> memref<1x4096xf32, #tpu.memory_space<hbm>>
    %dma_wait3A_27 = tpu.memref_squeeze %dma_wait3A_26 : memref<1x4096xf32, #tpu.memory_space<hbm>> -> memref<4096xf32, #tpu.memory_space<hbm>>
    %dma_wait3A_28 = arith.constant 0 : i32
    %dma_wait3A_29 = tpu.memref_slice %arg4[%dma_wait3A_21, %dma_wait3A_28] : memref<832x16384xf32, #tpu.memory_space<hbm>> -> memref<1x4096xf32, #tpu.memory_space<hbm>>
    %dma_wait3A_30 = tpu.memref_squeeze %dma_wait3A_29 : memref<1x4096xf32, #tpu.memory_space<hbm>> -> memref<4096xf32, #tpu.memory_space<hbm>>
    %dma_wait3A_31 = arith.constant 0 : i32
    %dma_wait3A_32 = tpu.memref_slice %arg8[%dma_wait3A_20, %dma_wait3A_31] : memref<2x4096xf32, #tpu.memory_space<vmem>> -> memref<1x4096xf32, #tpu.memory_space<vmem>>
    %dma_wait3A_33 = tpu.memref_squeeze %dma_wait3A_32 : memref<1x4096xf32, #tpu.memory_space<vmem>> -> memref<4096xf32, #tpu.memory_space<vmem>>
    tpu.wait_dma2 semaphore(%arg10 : memref<!tpu.dma_semaphore, #tpu.memory_space<semaphore_mem>>) src(%dma_wait3A_33 : memref<4096xf32, #tpu.memory_space<vmem>>) dst(%dma_wait3A_30 : memref<4096xf32, #tpu.memory_space<hbm>>)
    return
  }
}

module attributes {stable_mosaic.version = 14 : i64} {
  func.func @xstats_kernel(%arg0: i32, %arg1: memref<13x16384xf32, #tpu.memory_space<vmem>>, %arg2: memref<13x1xf32, #tpu.memory_space<vmem>>, %arg3: memref<13x1xf32, #tpu.memory_space<vmem>>, %arg4: memref<13x1xf32, #tpu.memory_space<vmem>>, %arg5: memref<13x1xf32, #tpu.memory_space<vmem>>) attributes {dimension_semantics = [#tpu.dimension_semantics<arbitrary>], iteration_bounds = array<i64: 1>, scalar_prefetch = 0 : i64, scratch_operands = 0 : i64, tpu.core_type = #tpu.core_type<tc>, window_params = [{pipeline_mode = #tpu.pipeline_mode<synchronous>, transform_indices = @transform_0, window_bounds = array<i64: 13, 16384>}, {pipeline_mode = #tpu.pipeline_mode<synchronous>, transform_indices = @transform_1, window_bounds = array<i64: 13, 1>}, {pipeline_mode = #tpu.pipeline_mode<synchronous>, transform_indices = @transform_2, window_bounds = array<i64: 13, 1>}, {pipeline_mode = #tpu.pipeline_mode<synchronous>, transform_indices = @transform_3, window_bounds = array<i64: 13, 1>}, {pipeline_mode = #tpu.pipeline_mode<synchronous>, transform_indices = @transform_4, window_bounds = array<i64: 13, 1>}]} {
    %get3A = arith.constant 0 : index
    %get3A_0 = arith.constant 0 : index
    %get3A_1 = vector.load %arg1[%get3A, %get3A_0] : memref<13x16384xf32, #tpu.memory_space<vmem>>, vector<13x16384xf32>
    %reduce_sum3A = arith.constant dense<0.000000e+00> : vector<13xf32>
    %reduce_sum3A_2 = vector.multi_reduction <add>, %get3A_1, %reduce_sum3A [1] : vector<13x16384xf32> to vector<13xf32>
    %broadcast_in_dim3A = vector.shape_cast %reduce_sum3A_2 : vector<13xf32> to vector<13x1xf32>
    %mul3A = arith.constant 6.10351563E-5 : f32
    %mul3A_3 = vector.broadcast %mul3A : f32 to vector<13x1xf32>
    %mul3A_4 = arith.mulf %broadcast_in_dim3A, %mul3A_3 : vector<13x1xf32>
    %mul3A_5 = arith.mulf %get3A_1, %get3A_1 : vector<13x16384xf32>
    %reduce_sum3A_6 = arith.constant dense<0.000000e+00> : vector<13xf32>
    %reduce_sum3A_7 = vector.multi_reduction <add>, %mul3A_5, %reduce_sum3A_6 [1] : vector<13x16384xf32> to vector<13xf32>
    %broadcast_in_dim3A_8 = vector.shape_cast %reduce_sum3A_7 : vector<13xf32> to vector<13x1xf32>
    %mul3A_9 = arith.constant 6.10351563E-5 : f32
    %mul3A_10 = vector.broadcast %mul3A_9 : f32 to vector<13x1xf32>
    %mul3A_11 = arith.mulf %broadcast_in_dim3A_8, %mul3A_10 : vector<13x1xf32>
    %mul3A_12 = arith.mulf %mul3A_4, %mul3A_4 : vector<13x1xf32>
    %sub3A = arith.subf %mul3A_11, %mul3A_12 : vector<13x1xf32>
    %add3A = arith.constant 9.99999974E-6 : f32
    %add3A_13 = vector.broadcast %add3A : f32 to vector<13x1xf32>
    %add3A_14 = arith.addf %sub3A, %add3A_13 : vector<13x1xf32>
    %rsqrt3A = math.rsqrt %add3A_14 : vector<13x1xf32>
    %get3A_15 = arith.constant 0 : index
    %get3A_16 = arith.constant 0 : index
    %get3A_17 = vector.load %arg2[%get3A_15, %get3A_16] : memref<13x1xf32, #tpu.memory_space<vmem>>, vector<13x1xf32>
    %mul3A_18 = arith.mulf %get3A_17, %rsqrt3A : vector<13x1xf32>
    %swap3A = arith.constant 0 : index
    %swap3A_19 = arith.constant 0 : index
    %swap3A_20 = vector.load %arg4[%swap3A, %swap3A_19] : memref<13x1xf32, #tpu.memory_space<vmem>>, vector<13x1xf32>
    tpu.vector_store %arg4[%swap3A, %swap3A_19], %mul3A_18 {strides = array<i32>} : memref<13x1xf32, #tpu.memory_space<vmem>>, vector<13x1xf32>,
    %get3A_21 = arith.constant 0 : index
    %get3A_22 = arith.constant 0 : index
    %get3A_23 = vector.load %arg3[%get3A_21, %get3A_22] : memref<13x1xf32, #tpu.memory_space<vmem>>, vector<13x1xf32>
    %mul3A_24 = arith.mulf %mul3A_4, %mul3A_18 : vector<13x1xf32>
    %sub3A_25 = arith.subf %get3A_23, %mul3A_24 : vector<13x1xf32>
    %swap3A_26 = arith.constant 0 : index
    %swap3A_27 = arith.constant 0 : index
    %swap3A_28 = vector.load %arg5[%swap3A_26, %swap3A_27] : memref<13x1xf32, #tpu.memory_space<vmem>>, vector<13x1xf32>
    tpu.vector_store %arg5[%swap3A_26, %swap3A_27], %sub3A_25 {strides = array<i32>} : memref<13x1xf32, #tpu.memory_space<vmem>>, vector<13x1xf32>,
    return
  }
  func.func @transform_0(%arg0: i32) -> (i32, i32) {
    %c0_i32 = arith.constant 0 : i32
    %c0_i32_0 = arith.constant 0 : i32
    %c0_i32_1 = arith.constant 0 : i32
    return %c0_i32, %c0_i32_0 : i32, i32
  }
  func.func @transform_1(%arg0: i32) -> (i32, i32) {
    %c0_i32 = arith.constant 0 : i32
    %c0_i32_0 = arith.constant 0 : i32
    %c0_i32_1 = arith.constant 0 : i32
    return %c0_i32, %c0_i32_0 : i32, i32
  }
  func.func @transform_2(%arg0: i32) -> (i32, i32) {
    %c0_i32 = arith.constant 0 : i32
    %c0_i32_0 = arith.constant 0 : i32
    %c0_i32_1 = arith.constant 0 : i32
    return %c0_i32, %c0_i32_0 : i32, i32
  }
  func.func @transform_3(%arg0: i32) -> (i32, i32) {
    %c0_i32 = arith.constant 0 : i32
    %c0_i32_0 = arith.constant 0 : i32
    %c0_i32_1 = arith.constant 0 : i32
    return %c0_i32, %c0_i32_0 : i32, i32
  }
  func.func @transform_4(%arg0: i32) -> (i32, i32) {
    %c0_i32 = arith.constant 0 : i32
    %c0_i32_0 = arith.constant 0 : i32
    %c0_i32_1 = arith.constant 0 : i32
    return %c0_i32, %c0_i32_0 : i32, i32
  }
}

module attributes {stable_mosaic.version = 14 : i64} {
  func.func @norm_kernel(%arg0: i32, %arg1: memref<832x2048xf32, #tpu.memory_space<vmem>>, %arg2: memref<13x2048xf32, #tpu.memory_space<vmem>>, %arg3: memref<832x1xf32, #tpu.memory_space<vmem>>, %arg4: memref<13x1xf32, #tpu.memory_space<vmem>>, %arg5: memref<832x1xf32, #tpu.memory_space<vmem>>, %arg6: memref<13x1xf32, #tpu.memory_space<vmem>>, %arg7: memref<845x2048xf32, #tpu.memory_space<vmem>>) attributes {dimension_semantics = [#tpu.dimension_semantics<arbitrary>], iteration_bounds = array<i64: 8>, scalar_prefetch = 0 : i64, scratch_operands = 0 : i64, tpu.core_type = #tpu.core_type<tc>, window_params = [{transform_indices = @transform_0, window_bounds = array<i64: 832, 2048>}, {transform_indices = @transform_1, window_bounds = array<i64: 13, 2048>}, {pipeline_mode = #tpu.pipeline_mode<synchronous>, transform_indices = @transform_2, window_bounds = array<i64: 832, 1>}, {pipeline_mode = #tpu.pipeline_mode<synchronous>, transform_indices = @transform_3, window_bounds = array<i64: 13, 1>}, {pipeline_mode = #tpu.pipeline_mode<synchronous>, transform_indices = @transform_4, window_bounds = array<i64: 832, 1>}, {pipeline_mode = #tpu.pipeline_mode<synchronous>, transform_indices = @transform_5, window_bounds = array<i64: 13, 1>}, {transform_indices = @transform_6, window_bounds = array<i64: 845, 2048>}]} {
    %get3A = arith.constant 0 : index
    %get3A_0 = arith.constant 0 : index
    %get3A_1 = vector.load %arg1[%get3A, %get3A_0] : memref<832x2048xf32, #tpu.memory_space<vmem>>, vector<832x2048xf32>
    %get3A_2 = arith.constant 0 : index
    %get3A_3 = arith.constant 0 : index
    %get3A_4 = vector.load %arg3[%get3A_2, %get3A_3] : memref<832x1xf32, #tpu.memory_space<vmem>>, vector<832x1xf32>
    %mul3A = vector.broadcast %get3A_4 : vector<832x1xf32> to vector<832x2048xf32>
    %mul3A_5 = arith.mulf %get3A_1, %mul3A : vector<832x2048xf32>
    %get3A_6 = arith.constant 0 : index
    %get3A_7 = arith.constant 0 : index
    %get3A_8 = vector.load %arg5[%get3A_6, %get3A_7] : memref<832x1xf32, #tpu.memory_space<vmem>>, vector<832x1xf32>
    %add3A = vector.broadcast %get3A_8 : vector<832x1xf32> to vector<832x2048xf32>
    %add3A_9 = arith.addf %mul3A_5, %add3A : vector<832x2048xf32>
    %get3A_10 = arith.constant 0 : index
    %get3A_11 = arith.constant 0 : index
    %get3A_12 = vector.load %arg2[%get3A_10, %get3A_11] : memref<13x2048xf32, #tpu.memory_space<vmem>>, vector<13x2048xf32>
    %get3A_13 = arith.constant 0 : index
    %get3A_14 = arith.constant 0 : index
    %get3A_15 = vector.load %arg4[%get3A_13, %get3A_14] : memref<13x1xf32, #tpu.memory_space<vmem>>, vector<13x1xf32>
    %mul3A_16 = vector.broadcast %get3A_15 : vector<13x1xf32> to vector<13x2048xf32>
    %mul3A_17 = arith.mulf %get3A_12, %mul3A_16 : vector<13x2048xf32>
    %get3A_18 = arith.constant 0 : index
    %get3A_19 = arith.constant 0 : index
    %get3A_20 = vector.load %arg6[%get3A_18, %get3A_19] : memref<13x1xf32, #tpu.memory_space<vmem>>, vector<13x1xf32>
    %add3A_21 = vector.broadcast %get3A_20 : vector<13x1xf32> to vector<13x2048xf32>
    %add3A_22 = arith.addf %mul3A_17, %add3A_21 : vector<13x2048xf32>
    %concatenate3A = tpu.concatenate %add3A_9, %add3A_22 in 0 : vector<832x2048xf32>, vector<13x2048xf32> -> vector<845x2048xf32>
    %swap3A = arith.constant 0 : index
    %swap3A_23 = arith.constant 0 : index
    %swap3A_24 = vector.load %arg7[%swap3A, %swap3A_23] : memref<845x2048xf32, #tpu.memory_space<vmem>>, vector<845x2048xf32>
    tpu.vector_store %arg7[%swap3A, %swap3A_23], %concatenate3A {strides = array<i32>} : memref<845x2048xf32, #tpu.memory_space<vmem>>, vector<845x2048xf32>,
    return
  }
  func.func @transform_0(%arg0: i32) -> (i32, i32) {
    %c0_i32 = arith.constant 0 : i32
    %c0_i32_0 = arith.constant 0 : i32
    return %c0_i32, %arg0 : i32, i32
  }
  func.func @transform_1(%arg0: i32) -> (i32, i32) {
    %c0_i32 = arith.constant 0 : i32
    %c0_i32_0 = arith.constant 0 : i32
    return %c0_i32, %arg0 : i32, i32
  }
  func.func @transform_2(%arg0: i32) -> (i32, i32) {
    %c0_i32 = arith.constant 0 : i32
    %c0_i32_0 = arith.constant 0 : i32
    %c0_i32_1 = arith.constant 0 : i32
    return %c0_i32, %c0_i32_0 : i32, i32
  }
  func.func @transform_3(%arg0: i32) -> (i32, i32) {
    %c0_i32 = arith.constant 0 : i32
    %c0_i32_0 = arith.constant 0 : i32
    %c0_i32_1 = arith.constant 0 : i32
    return %c0_i32, %c0_i32_0 : i32, i32
  }
  func.func @transform_4(%arg0: i32) -> (i32, i32) {
    %c0_i32 = arith.constant 0 : i32
    %c0_i32_0 = arith.constant 0 : i32
    %c0_i32_1 = arith.constant 0 : i32
    return %c0_i32, %c0_i32_0 : i32, i32
  }
  func.func @transform_5(%arg0: i32) -> (i32, i32) {
    %c0_i32 = arith.constant 0 : i32
    %c0_i32_0 = arith.constant 0 : i32
    %c0_i32_1 = arith.constant 0 : i32
    return %c0_i32, %c0_i32_0 : i32, i32
  }
  func.func @transform_6(%arg0: i32) -> (i32, i32) {
    %c0_i32 = arith.constant 0 : i32
    %c0_i32_0 = arith.constant 0 : i32
    return %c0_i32, %arg0 : i32, i32
  }
}

</mosaic_0001>

<sc_bundles>
// kernel: kernel.5.cloned.1.call-start
scs
__scs_entry_jumppad:
0x0: {  	(pc) =	sbr.rel $0x88, $3  }
0x1: {  	(tag) =	ssettag $0x0;
	lr =	simm.s32 $0x1  }
0x2: {  	[smem:$0x3F9C] =	sst lr;
	_ =	strace $0xD0000000  }
0x3: {  	_ = 	snop  }
0x4: {  	_ = 	snop  }
0x5: {  	_ = 	snop  }
0x6: {  	_ = 	snop  }
0x7: {  	_ = 	snop  }
__scs_overlays_trampoline_lowered:
0x8: {  	[smem:$0x3FAB] =	sst s0  }
0x9: {  	[smem:$0x3FAC] =	sst s1  }
0xa: {  	[smem:$0x3FAD] =	sst s2  }
0xb: {  	[smem:$0x3FAE] =	sst s3  }
0xc: {  	[smem:$0x3FAF] =	sst s4  }
0xd: {  	[smem:$0x3FB0] =	sst s5  }
0xe: {  	[smem:$0x3FB1] =	sst s6  }
0xf: {  	[smem:$0x3FB2] =	sst s7  }
0x10: {  	[smem:$0x3FB3] =	sst s8  }
0x11: {  	[smem:$0x3FB4] =	sst s9;
	s0 =	simm.s32 @!p0 $0x0  }
0x12: {  	s1 =	sld [smem:$0x3F9A];
	s0 =	simm.s32 @p0 $0x1  }
0x13: {  	[smem:$0x3FB5] =	sst s0;
	s0 =	simm.s32 @!p1 $0x0  }
0x14: {  	s2 =	sld [smem:$0x3F99];
	s0 =	simm.s32 @p1 $0x1  }
0x15: {  	[smem:$0x3FB6] =	sst s0;
	s0 =	simm.s32 @!p2 $0x0  }
0x16: {  	s3 =	sld [smem:$0x3FDB];
	s0 =	simm.s32 @p2 $0x1  }
0x17: {  	s4 =	simm.s32 $0x1BF5;
	[smem:$0x3FB8] =	sst s0  }
0x18: {  	s0 =	sld [smem:$0x3F9B];
	_ =	swait.ge [sflag:s4], $0x0  }
0x19: {  	s7 =	sld [smem:$0x3F9C]  }
0x1a: {  	s8 =	sadd.s32 $0xFFFFE003, lr  }
0x1b: {  	s9 =	sadd.s32 $0xFFFFFEF7, lr;
	s5 =	simm.s32 $0xFFFFFFFF;
	p2 =	slt.u32 s8, $0xFFFFF086  }
0x1c: {  	p1 =	slt.u32 s9, $0xF7A;
	s5 =	simm.s32 @!p2 $0x0  }
0x1d: {  	s5 =	simm.s32 @p1 $0x1;
	p0 =	seq.s32 s7, s2  }
0x1e: {  	s7 =	smul.u32 @!p0 $0xF7A, s2;
	p2 =	seq.s32 @!p0 s5, $0x0  }
0x1f: {  	s9 =	smul.u32 $0xF7A, s1;
	s8 =	simm.s32 @!p0 $0x1BF5;
	p2 =	por !p2, p0  }
0x20: {  	[sflag:s8] =	ssyncset.s32 @!p0 $0xFFFFF086;
	s6 =	sadd.s32 @!p0 s3, s7;
	s7 =	simm.s32 @!p0 $0x108  }
0x21: {  	s3 =	sadd.s32 s3, s9;
	s6 =	sadd.s32 @!p0 $0x88, s6;
	s7 =	simm.s32 @p2 $0x1082  }
0x22: {  	[simem:s7], [sflag:s8] =	dma.local @!p0 [hbm:s6], $0xF7A  }
0x23: {  	s9 =	sor.u32 $0xD0000000, s2;
	s6 =	simm.s32 $0x108;
	_ =	swait.ge @!p0 [sflag:s8], $0x0  }
0x24: {  	s3 =	sadd.s32 $0x88, s3;
	s6 =	simm.s32 @!p1 $0x1082;
	[sflag:s4] =	ssyncset.s32 $0xFFFFF086  }
0x25: {  	[simem:s6], [sflag:s4] =	dma.local [hbm:s3], $0xF7A  }
0x26: {  	[smem:$0x3F9C] =	sst s1;
	(tag) =	ssettag s2;
	_ =	strace s9  }
0x27: {  	s1 =	sld [smem:$0x3FAC]  }
0x28: {  	s2 =	sld [smem:$0x3FAD]  }
0x29: {  	s4 =	sld [smem:$0x3FAF]  }
0x2a: {  	p0 =	seq.s32 s5, $0x0;
	s5 =	sld [smem:$0x3FB0]  }
0x2b: {  	s6 =	sld [smem:$0x3FB1]  }
0x2c: {  	s7 =	sld [smem:$0x3FB2]  }
0x2d: {  	s3 =	simm.s32 $0x108;
	s8 =	sld [smem:$0x3FB3]  }
0x2e: {  	s3 =	simm.s32 @!p0 $0x1082;
	s9 =	sld [smem:$0x3FB4]  }
0x2f: {  	lr =	sadd.s32 s0, s3;
	s0 =	sld [smem:$0x3FAB]  }
0x30: {  	s3 =	sld [smem:$0x3FAE]  }
0x31: {  	[smem:$0x3FB7] =	sst s10  }
0x32: {  	s10 =	sld [smem:$0x3FB5];
	_ =	sdelay $0x3  }
0x33: {  	p0 =	seq.s32 s10, $0x1;
	s10 =	sld [smem:$0x3FB7];
	_ =	sdelay $0x3  }
0x34: {  	[smem:$0x3FB7] =	sst s10  }
0x35: {  	s10 =	sld [smem:$0x3FB6];
	_ =	sdelay $0x3  }
0x36: {  	p1 =	seq.s32 s10, $0x1;
	s10 =	sld [smem:$0x3FB7];
	_ =	sdelay $0x3  }
0x37: {  	[smem:$0x3FB7] =	sst s10  }
0x38: {  	s10 =	sld [smem:$0x3FB8]  }
0x39: {  	_ = 	snop;
	(pc) =	sbr.ind lr, $3  }
0x3a: {  	_ = 	snop  }
0x3b: {  	_ = 	snop  }
0x3c: {  	p2 =	seq.s32 s10, $0x1;
	s10 =	sld [smem:$0x3FB7]  }
0x3d: {  	_ =	shalt  }
0x3e: {  	_ =	shalt  }
0x3f: {  	_ =	shalt  }
0x40: {  	_ =	shalt  }
0x41: {  	_ =	shalt  }
0x42: {  	_ =	shalt  }
0x43: {  	_ =	shalt  }
0x44: {  	_ =	shalt  }
0x45: {  	_ =	shalt  }
0x46: {  	_ =	shalt  }
0x47: {  	_ =	shalt  }
0x48: {  	_ =	shalt  }
0x49: {  	_ =	shalt  }
0x4a: {  	_ =	shalt  }
0x4b: {  	_ =	shalt  }
0x4c: {  	_ =	shalt  }
0x4d: {  	_ =	shalt  }
0x4e: {  	_ =	shalt  }
0x4f: {  	_ =	shalt  }
0x50: {  	_ =	shalt  }
0x51: {  	_ =	shalt  }
0x52: {  	_ =	shalt  }
0x53: {  	_ =	shalt  }
0x54: {  	_ =	shalt  }
0x55: {  	_ =	shalt  }
0x56: {  	_ =	shalt  }
0x57: {  	_ =	shalt  }
0x58: {  	_ =	shalt  }
0x59: {  	_ =	shalt  }
0x5a: {  	_ =	shalt  }
0x5b: {  	_ =	shalt  }
0x5c: {  	_ =	shalt  }
0x5d: {  	_ =	shalt  }
0x5e: {  	_ =	shalt  }
0x5f: {  	_ =	shalt  }
0x60: {  	_ =	shalt  }
0x61: {  	_ =	shalt  }
0x62: {  	_ =	shalt  }
0x63: {  	_ =	shalt  }
0x64: {  	_ =	shalt  }
0x65: {  	_ =	shalt  }
0x66: {  	_ =	shalt  }
0x67: {  	_ =	shalt  }
0x68: {  	_ =	shalt  }
0x69: {  	_ =	shalt  }
0x6a: {  	_ =	shalt  }
0x6b: {  	_ =	shalt  }
0x6c: {  	_ =	shalt  }
0x6d: {  	_ =	shalt  }
0x6e: {  	_ =	shalt  }
0x6f: {  	_ =	shalt  }
0x70: {  	_ =	shalt  }
0x71: {  	_ =	shalt  }
0x72: {  	_ =	shalt  }
0x73: {  	_ =	shalt  }
0x74: {  	_ =	shalt  }
0x75: {  	_ =	shalt  }
0x76: {  	_ =	shalt  }
0x77: {  	_ =	shalt  }
0x78: {  	_ =	shalt  }
0x79: {  	_ =	shalt  }
0x7a: {  	_ =	shalt  }
0x7b: {  	_ =	shalt  }
0x7c: {  	_ =	shalt  }
0x7d: {  	_ =	shalt  }
0x7e: {  	_ =	shalt  }
0x7f: {  	_ =	shalt  }
0x80: {  	_ =	shalt  }
0x81: {  	_ =	shalt  }
0x82: {  	_ =	shalt  }
0x83: {  	_ =	shalt  }
0x84: {  	_ =	shalt  }
0x85: {  	_ =	shalt  }
0x86: {  	_ =	shalt  }
0x87: {  	_ =	shalt  }
.Lfunc_end0:
.L_simem_size_0:
called_computation_lowered:
.L_overlay_start_0:
0x88: {  	s2 =	sld [smem:$0x3FD9]  }
0x89: {  	s3 =	sld [smem:$0x3FFE];
	_ =	sdelay $0x1  }
0x8a: {  	s1 =	srdreg.scid  }
0x8b: {  	s0 =	sand.u32 $0x1, s1  }
0x8c: {  	s17 =	sshll.u32 s0, $0xA;
	s2 =	sadd.s32 s3, s2  }
0x8d: {  	s2 =	sadd.s32 s2, s17  }
0x8e: {  	[smem:$0x3FC3] =	sst s2  }
0x8f: {  	_ = 	snop  }
0x90: {  	s2 =	sld [smem:$0x3FC7]  }
0x91: {  	s18 =	sld [smem:$0x3FD0];
	(tm) =	ssettm $0x1  }
0x92: {  	s4 =	sld [smem:$0x3FFB];
	_ =	sdelay $0x3  }
0x93: {  	_ =	strace s4  }
0x94: {  	s4 =	sld [smem:$0x3FFC];
	_ =	sdelay $0x3  }
0x95: {  	_ =	strace s4  }
0x96: {  	s4 =	sld [smem:$0x3FFD];
	_ =	sdelay $0x3  }
0x97: {  	_ =	strace s4  }
0x98: {  	_ =	strace $0x8FFFFFFF  }
0x99: {  	s19 =	sld [smem:$0x3FDB];
	_ =	sdelay $0x1  }
0x9a: {  	s5 =	simm.s32 $_scs_section_size  }
0x9b: {  	s6 =	simm.s32 $_size__tile_overlayer_lowered;
	s7 =	simm.s32 $_tile_overlayer_lowered  }
0x9c: {  	s22 =	simm.s32 $0x1BFF;
	s21 =	sshll.u32 s7, $0x1;
	s4 =	sadd.s32 s5, s19  }
0x9d: {  	s8 =	simm.s32 $0x0;
	s20 =	sshll.u32 s6, $0x1;
	s6 =	sadd.s32 s21, s4  }
0x9e: {  	[timem:s8], [sflag:s22] =	dma.local [hbm:s6], s20  }
0x9f: {  	_ =	swait.ge [sflag:s22], s20  }
0xa0: {  	s5 =	ssub.s32 $0x0, s20;
	[sflag:s22] =	ssyncset.done $0x0  }
0xa1: {  	[sflag:s22] =	ssyncadd.s32 s5;
	_ =	sdelay $0x1  }
0xa2: {  	s23 =	simm.s32 $0x1B8B  }
0xa3: {  	_ =	swait.ge [sflag:s23], $0x1  }
0xa4: {  	[sflag:s23] =	ssyncset.done $0x0  }
0xa5: {  	s25 =	simm.s32 $0x1B8E;
	s24 =	sld [smem:$0x3FFE];
	[sflag:s23] =	ssyncadd.s32 $0xFFFFFFFF  }
0xa6: {  	s26 =	simm.s32 $execute0_lowered;
	[smem:$0x3FD2] =	sst s25  }
0xa7: {  	s6 =	sshll.u32 s26, $0x1;
	_ =	strace $0x80000046;
	[dreg:$0x1] =	wrdreg $0xFFFFFFFF  }
0xa8: {  	s28 =	simm.s32 $_size_execute0_lowered;
	s4 =	sadd.s32 s4, s6;
	[dreg:$0x0] =	wrdreg $0x0  }
0xa9: {  	s6 =	sshll.u32 s28, $0x1;
	[dreg:$0x2] =	wrdreg s4  }
0xaa: {  	[dreg:$0x3] =	wrdreg s6  }
0xab: {  	[dreg:$0x4] =	wrdreg $0xC0  }
0xac: {  	_ =	task [dreg:s8], $0x5FFFF  }
0xad: {  	[dreg:$0x1] =	wrdreg $0xFFFFFFFF  }
0xae: {  	[dreg:$0x0] =	wrdreg $0x60  }
0xaf: {  	[dreg:$0x2] =	wrdreg s2  }
0xb0: {  	[dreg:$0x3] =	wrdreg s18  }
0xb1: {  	[dreg:$0x4] =	wrdreg s24  }
0xb2: {  	[dreg:$0x5] =	wrdreg $0x9  }
0xb3: {  	_ =	task.clear_ibuf [dreg:s8], $0x6FFFF;
	_ =	strace $0x90000046  }
0xb4: {  	s29 =	simm.s32 $0x9;
	_ =	strace $0x80000048  }
0xb5: {  	_ =	swait.ge [sflag:s29], $0x1  }
0xb6: {  	[sflag:s29] =	ssyncadd.s32 $0xFFFFFFFF  }
0xb7: {  	_ =	strace $0x90000048  }
0xb8: {  	_ =	sfence  }
0xb9: {  	s30 =	sld [smem:$0x0];
	_ =	sdelay $0x2  }
0xba: {  	s31 =	sshll.u32 s1, $0xD;
	s1 =	sshrl.u32 s1, $0x2  }
0xbb: {  	s3 =	sand.u32 $0x4000, s31;
	s1 =	sadd.s32 s1, s30  }
0xbc: {  	s0 =	sor.u32 s3, s0;
	s1 =	sshll.u32 s1, $0x11  }
0xbd: {  	s0 =	sor.u32 s1, s0  }
0xbe: {  	s0 =	sadd.s32 $0x8F2B, s0  }
0xbf: {  	[sflag:s0] =	ssyncadd.remote.s32 $0x1  }
0xc0: {  	_ =	sfence.sel $0xFFFF  }
0xc1: {  	[dreg:$0x0] =	wrdreg $0xFFFFFFFF;
	(pc) =	sbr.abs _section_cstart, $3  }
0xc2: {  	[dreg:$0x1] =	wrdreg $0xFFFFFFFF  }
0xc3: {  	_ =	task.clear_ibuf [dreg:s8], $0x2FFFF;
	_ =	strace $0x9FFFFFFF  }
0xc4: {  	(tm) =	ssettm $0x7FFFFFFF  }
0xc5: {  	_ =	shalt  }
tec
execute0_lowered:
.L_overlay_start_1:
0x0: {  	(tag) =	ssettag $0x1  }
0x1: {  	s1 =	rddreg [dreg:$0x0]  }
0x2: {  	s2 =	srdreg.scid;
	s3 =	rddreg [dreg:$0x1]  }
0x3: {  	s0 =	stileid.u32;
	s7 =	rddreg [dreg:$0x2]  }
0x4: {  	s4 =	simm.s32 $0x0;
	s11 =	simm.s32 $0x2;
	s12 =	simm.s32 $0x1  }
0x5: {  	s13 =	simm.s32 $0x1E700;
	s5 =	sand.u32 $0x1, s2;
	s28 =	sshll.u32 s0, $0x1  }
0x6: {  	s14 =	simm.s32 $0x0;
	s29 =	sshrl.u32 s0, $0x2;
	s6 =	sor.u32 s5, s28  }
0x7: {  	s2 =	rddreg [dreg:$0x3];
	s8 =	smul.u32 $0x1C00, s29;
	s9 =	sshll.u32 s6, $0x7  }
0x8: {  	[smem:$0x7FF] =	sst s4;
	s30 =	ssub.s32 $0x2, s5;
	s9 =	sand.u32 $0x380, s9  }
0x9: {  	_ =	strace $0x80000047;
	s5 =	sadd.s32 $0x1E00, s7;
	s8 =	sor.u32 s8, s9  }
0xa: {  	s10 =	sshrl.u32 s30, $0x1;
	s6 =	smul.u32 $0x1A, s6;
	s8 =	sshrl.u32 s8, $0x3  }
0xb: {  	s31 =	ssub.s32 s30, s10;
	s10 =	simm.s32 $0x400;
	s7 =	sadd.s32 s8, s7  }
0xc: {  	s9 =	simm.s32 $0x80;
	s8 =	smax.u32 s31, $0x1;
	s7 =	sadd.s32 $0x1000, s7  }
.LBB2_1:
0xd: {  	s16 =	simm.s32 $0xFFFFFFFF;
	s15 =	simm.s32 $0x0  }
.LBB2_2:
0xe: {  	s17 =	sadd.s32 s6, s15  }
0xf: {  	s18 =	sshrl.u32 s17, $0x3  }
0x10: {  	s19 =	sshll.u32 s17, $0x7;
	s20 =	smul.u32 $0xC3800, s18  }
0x11: {  	s19 =	sand.u32 $0x380, s19  }
0x12: {  	s20 =	sor.u32 s19, s20  }
0x13: {  	s21 =	smov.u32 s16;
	s16 =	sshrl.u32 s17, $0x5;
	s20 =	sshrl.u32 s20, $0x3  }
0x14: {  	p0 =	seq.s32 s16, s21;
	s31 =	sadd.s32 s1, s20  }
0x15: {  	[tilespmem:s4], [sflag:$0x2] =	stream.strided.gather [hbm4b:s31+s9], $0x18700, s10, s9, $0x38;
	[tilespmem:$0x1EA80] =	vst v63  }
0x16: {  	s17 =	sshll.u32 @!p0 s16, $0xB;
	_ =	swait.ge [sflag:s11], $0x18700  }
0x17: {  	s21 =	simm.s32 @!p0 $0x18700;
	s17 =	sand.u32 @!p0 $0x1FFFF800, s17;
	[sflag:s11] =	ssyncset.done $0x0  }
0x18: {  	s17 =	sadd.s32 @!p0 s3, s17;
	s20 =	simm.s32 @!p0 $0x0;
	[sflag:s11] =	ssyncadd.s32 $0xFFFE7900  }
0x19: {  	[tilespmem:s21], [sflag:$0x2] =	stream.linear.gather @!p0 [hbm4b:s17+s20], $0x4000, $0x38;
	[tilespmem:$0x1EA80] =	vst v63  }
0x1a: {  	s18 =	sshll.u32 s18, $0x11;
	s17 =	simm.s32 @!p0 $0x2  }
0x1b: {  	s18 =	sor.u32 s19, s18;
	_ =	swait.ge @!p0 [sflag:s17], $0x4000  }
0x1c: {  	s19 =	simm.s32 $0x0;
	s20 =	simm.s32 $0x18780;
	[sflag:s17] =	ssyncset.done @!p0 $0x0  }
0x1d: {  	v5 =	vimm.f32 $0.0e+00;
	v10 =	vimm.f32 $0.0e+00;
	[sflag:s17] =	ssyncadd.s32 @!p0 $0xFFFFC000;
	s17 =	sshll.u32 s15, $0x2;
	p0 =	por $0x0, $0x0  }
.LBB2_3:
0x1e: {  	s21 =	sadd.s32 s17, s19  }
0x1f: {  	p1 =	slt.u32 s21, $0x2  }
0x20: {  	s21 =	simm.s32 @!p1 $0x1  }
0x21: {  	_ =	swait.ge @!p1 [sflag:s21], $0x1000  }
0x22: {  	[sflag:s21] =	ssyncset.done @!p1 $0x0  }
0x23: {  	[sflag:s21] =	ssyncadd.s32 @!p1 $0xFFFFF000  }
0x24: {  	v2 =	vld [tilespmem:s20+$0x0]  }
0x25: {  	v3 =	vld [tilespmem:s20+$0xFFFFFF90]  }
0x26: {  	v1 =	vld [tilespmem:s20+$0x70]  }
0x27: {  	v0 =	vld [tilespmem:s20+$0x60]  }
0x28: {  	v6 =	vld [tilespmem:s20+$0x50]  }
0x29: {  	v4 =	vld [tilespmem:s20+$0xFFFFFFF0]  }
0x2a: {  	v7 =	vld [tilespmem:s20+$0xFFFFFFD0]  }
0x2b: {  	v8 =	vld [tilespmem:s20+$0x20]  }
0x2c: {  	v9 =	vld [tilespmem:s20+$0x10]  }
0x2d: {  	v11 =	vld [tilespmem:s20+$0xFFFFFFE0]  }
0x2e: {  	v12 =	vld [tilespmem:s20+$0xFFFFFFC0]  }
0x2f: {  	v13 =	vld [tilespmem:s20+$0x40]  }
0x30: {  	v14 =	vld [tilespmem:s20+$0x30]  }
0x31: {  	v15 =	vld [tilespmem:s20+$0xFFFFFFA0]  }
0x32: {  	v17 =	vld [tilespmem:s20+$0xFFFFFF80]  }
0x33: {  	v0 =	vld.idx.msk [tilespmem:v0+s4+$0x0], $0xffff  }
0x34: {  	v1 =	vld.idx.msk [tilespmem:v1+s4+$0x0], $0xffff  }
0x35: {  	v16 =	vld.idx.msk [tilespmem:v4+s4+$0x0], $0xffff  }
0x36: {  	v18 =	vld.idx.msk [tilespmem:v7+s4+$0x0], $0xffff  }
0x37: {  	v4 =	vld.idx.msk [tilespmem:v9+s4+$0x0], $0xffff  }
0x38: {  	v19 =	vld.idx.msk [tilespmem:v11+s4+$0x0], $0xffff  }
0x39: {  	v7 =	vld.idx.msk [tilespmem:v2+s4+$0x0], $0xffff  }
0x3a: {  	s21 =	simm.s32 $0x1;
	v9 =	vld [tilespmem:s20+$0xFFFFFFB0]  }
0x3b: {  	s21 =	simm.s32 @!p0 $0x0;
	v11 =	vld.idx.msk [tilespmem:v3+s4+$0x0], $0xffff  }
0x3c: {  	s21 =	sshll.u32 s21, $0x7;
	v15 =	vld.idx.msk [tilespmem:v15+s4+$0x0], $0xffff  }
0x3d: {  	s22 =	sor.u32 $0x1C870, s21;
	v17 =	vld.idx.msk [tilespmem:v17+s4+$0x0], $0xffff  }
0x3e: {  	v20 =	vld.idx.msk [tilespmem:v12+s4+$0x0], $0xffff;
	v2 =	vmov s22  }
0x3f: {  	v3 =	vld.idx.msk [tilespmem:v6+s4+$0x0], $0xffff  }
0x40: {  	v8 =	vld.idx.msk [tilespmem:v8+s4+$0x0], $0xffff  }
0x41: {  	v6 =	vld.idx.msk [tilespmem:v13+s4+$0x0], $0xffff  }
0x42: {  	s24 =	simm.s32 $0x0;
	v13 =	vmul.f32 v17, v17;
	v12 =	vld.idx.msk [tilespmem:v9+s4+$0x0], $0xffff  }
0x43: {  	v10 =	vadd.f32 v17, v10;
	v9 =	vld.idx.msk [tilespmem:v14+s4+$0x0], $0xffff;
	[tilespmem:v2+s24+$0xFFFFFE90 ss:$0x1] =	vst.idx.msk $0xffff, v17  }
0x44: {  	v5 =	vadd.f32 v13, v5;
	v14 =	vmul.f32 v11, v11;
	[tilespmem:v2+s24+$0xFFFFFF90 ss:$0x1] =	vst.idx.msk $0xffff, v7  }
0x45: {  	v10 =	vadd.f32 v11, v10;
	[tilespmem:v2+s24+$0xFFFFFEA0 ss:$0x1] =	vst.idx.msk $0xffff, v11  }
0x46: {  	v11 =	vmul.f32 v15, v15;
	[tilespmem:v2+s24+$0xFFFFFFA0 ss:$0x1] =	vst.idx.msk $0xffff, v4;
	v5 =	vadd.f32 v14, v5  }
0x47: {  	v10 =	vadd.f32 v15, v10;
	[tilespmem:v2+s24+$0xFFFFFFB0 ss:$0x1] =	vst.idx.msk $0xffff, v8  }
0x48: {  	[tilespmem:v2+s24+$0xFFFFFEB0 ss:$0x1] =	vst.idx.msk $0xffff, v15;
	v5 =	vadd.f32 v11, v5;
	v13 =	vmul.f32 v12, v12  }
0x49: {  	v11 =	vmul.f32 v20, v20;
	[tilespmem:v2+s24+$0xFFFFFFC0 ss:$0x1] =	vst.idx.msk $0xffff, v9  }
0x4a: {  	v10 =	vadd.f32 v12, v10;
	[tilespmem:v2+s24+$0xFFFFFEC0 ss:$0x1] =	vst.idx.msk $0xffff, v12;
	v5 =	vadd.f32 v13, v5  }
0x4b: {  	v14 =	vmul.f32 v18, v18;
	[tilespmem:v2+s24+$0xFFFFFFD0 ss:$0x1] =	vst.idx.msk $0xffff, v6  }
0x4c: {  	[tilespmem:v2+s24+$0xFFFFFED0 ss:$0x1] =	vst.idx.msk $0xffff, v20;
	v13 =	vadd.f32 v20, v10;
	v5 =	vadd.f32 v11, v5  }
0x4d: {  	v17 =	vmul.f32 v19, v19;
	[tilespmem:v2+s24+$0xFFFFFFE0 ss:$0x1] =	vst.idx.msk $0xffff, v3  }
0x4e: {  	[tilespmem:v2+s24+$0xFFFFFEE0 ss:$0x1] =	vst.idx.msk $0xffff, v18;
	v15 =	vadd.f32 v18, v13;
	v5 =	vadd.f32 v14, v5  }
0x4f: {  	v12 =	vmul.f32 v8, v8;
	v10 =	vmul.f32 v7, v7;
	[tilespmem:v2+s24+$0xFFFFFFF0 ss:$0x1] =	vst.idx.msk $0xffff, v0  }
0x50: {  	[tilespmem:v2+s24+$0xFFFFFEF0 ss:$0x1] =	vst.idx.msk $0xffff, v19;
	v11 =	vmul.f32 v4, v4;
	v18 =	vadd.f32 v19, v15  }
0x51: {  	v13 =	vmul.f32 v9, v9;
	v15 =	vadd.f32 v17, v5;
	v17 =	vmul.f32 v16, v16  }
0x52: {  	s23 =	sadd.s32 $0x100, s20;
	s21 =	sor.u32 $0x1C700, s21;
	s22 =	simm.s32 $0x800;
	[tilespmem:v2+s24+$0xFFFFFF00 ss:$0x1] =	vst.idx.msk $0xffff, v16;
	v14 =	vmul.f32 v6, v6;
	v16 =	vadd.f32 v16, v18;
	v5 =	vmov v1  }
.LBB2_4:
0x53: {  	p1 =	sne.s32 s22, $0x7800;
	v15 =	vadd.f32 v17, v15;
	[tilespmem:v2+s24+$0x0 ss:$0x1] =	vst.idx.msk $0xffff, v1;
	s24 =	smov.u32 s22;
	s22 =	sadd.s32 $0x800, s22  }
0x54: {  	v17 =	vld [tilespmem:s23+$0x0];
	v7 =	vadd.f32 v7, v16  }
0x55: {  	v16 =	vld [tilespmem:s23+$0xFFFFFF90];
	v10 =	vadd.f32 v10, v15  }
0x56: {  	v15 =	vld [tilespmem:s23+$0x70];
	v4 =	vadd.f32 v4, v7  }
0x57: {  	v7 =	vld [tilespmem:s23+$0x60];
	v10 =	vadd.f32 v11, v10;
	v11 =	vmul.f32 v3, v3  }
0x58: {  	v18 =	vld [tilespmem:s23+$0x50];
	v4 =	vadd.f32 v8, v4  }
0x59: {  	v8 =	vld [tilespmem:s23+$0xFFFFFFF0];
	v10 =	vadd.f32 v12, v10  }
0x5a: {  	v12 =	vld [tilespmem:s23+$0xFFFFFFD0];
	v4 =	vadd.f32 v9, v4  }
0x5b: {  	v9 =	vld [tilespmem:s23+$0x20];
	v10 =	vadd.f32 v13, v10  }
0x5c: {  	v13 =	vld [tilespmem:s23+$0x10];
	v4 =	vadd.f32 v6, v4  }
0x5d: {  	v6 =	vld [tilespmem:s23+$0xFFFFFFE0];
	v10 =	vadd.f32 v14, v10  }
0x5e: {  	v14 =	vld [tilespmem:s23+$0xFFFFFFC0];
	v3 =	vadd.f32 v3, v4  }
0x5f: {  	v19 =	vld [tilespmem:s23+$0x40];
	v4 =	vadd.f32 v11, v10;
	v10 =	vmul.f32 v0, v0  }
0x60: {  	v3 =	vadd.f32 v0, v3;
	v0 =	vld.idx.msk [tilespmem:v7+s4+$0x0], $0xffff  }
0x61: {  	v7 =	vmul.f32 v5, v1;
	v4 =	vadd.f32 v10, v4;
	v5 =	vld.idx.msk [tilespmem:v15+s4+$0x0], $0xffff  }
0x62: {  	v20 =	vld.idx.msk [tilespmem:v8+s4+$0x0], $0xffff;
	v11 =	vadd.f32 v1, v3  }
0x63: {  	v15 =	vld [tilespmem:s23+$0x30];
	v21 =	vadd.f32 v7, v4  }
0x64: {  	v3 =	vld [tilespmem:s23+$0xFFFFFFA0]  }
0x65: {  	v8 =	vld [tilespmem:s23+$0xFFFFFF80]  }
0x66: {  	v22 =	vld.idx.msk [tilespmem:v12+s4+$0x0], $0xffff  }
0x67: {  	v1 =	vmov v5;
	v4 =	vld.idx.msk [tilespmem:v13+s4+$0x0], $0xffff  }
0x68: {  	v23 =	vld.idx.msk [tilespmem:v6+s4+$0x0], $0xffff  }
0x69: {  	v7 =	vld.idx.msk [tilespmem:v17+s4+$0x0], $0xffff  }
0x6a: {  	v12 =	vld [tilespmem:s23+$0xFFFFFFB0]  }
0x6b: {  	v13 =	vld.idx.msk [tilespmem:v16+s4+$0x0], $0xffff  }
0x6c: {  	v16 =	vld.idx.msk [tilespmem:v3+s4+$0x0], $0xffff  }
0x6d: {  	v24 =	vmul.f32 v22, v22;
	v17 =	vld.idx.msk [tilespmem:v8+s4+$0x0], $0xffff  }
0x6e: {  	v14 =	vld.idx.msk [tilespmem:v14+s4+$0x0], $0xffff  }
0x6f: {  	v10 =	vmul.f32 v7, v7;
	v3 =	vld.idx.msk [tilespmem:v18+s4+$0x0], $0xffff;
	v18 =	vmul.f32 v23, v23  }
0x70: {  	v8 =	vld.idx.msk [tilespmem:v9+s4+$0x0], $0xffff  }
0x71: {  	v6 =	vld.idx.msk [tilespmem:v19+s4+$0x0], $0xffff  }
0x72: {  	v19 =	vld.idx.msk [tilespmem:v12+s4+$0x0], $0xffff  }
0x73: {  	s24 =	sshra.s32 s24, $0x2;
	v25 =	vmul.f32 v13, v13;
	v12 =	vadd.f32 v17, v11;
	v9 =	vld.idx.msk [tilespmem:v15+s4+$0x0], $0xffff;
	v15 =	vmul.f32 v17, v17  }
0x74: {  	v11 =	vmul.f32 v4, v4;
	[tilespmem:v2+s24+$0xFFFFFE90 ss:$0x1] =	vst.idx.msk $0xffff, v17  }
0x75: {  	v17 =	vmul.f32 v14, v14;
	v15 =	vadd.f32 v15, v21;
	[tilespmem:v2+s24+$0xFFFFFF90 ss:$0x1] =	vst.idx.msk $0xffff, v7  }
0x76: {  	v21 =	vmul.f32 v16, v16;
	[tilespmem:v2+s24+$0xFFFFFEA0 ss:$0x1] =	vst.idx.msk $0xffff, v13;
	v13 =	vadd.f32 v13, v12  }
0x77: {  	v12 =	vmul.f32 v8, v8;
	v15 =	vadd.f32 v25, v15;
	[tilespmem:v2+s24+$0xFFFFFFA0 ss:$0x1] =	vst.idx.msk $0xffff, v4  }
0x78: {  	v25 =	vmul.f32 v19, v19;
	v13 =	vadd.f32 v16, v13;
	[tilespmem:v2+s24+$0xFFFFFFB0 ss:$0x1] =	vst.idx.msk $0xffff, v8  }
0x79: {  	v15 =	vadd.f32 v21, v15;
	[tilespmem:v2+s24+$0xFFFFFFC0 ss:$0x1] =	vst.idx.msk $0xffff, v9  }
0x7a: {  	v13 =	vadd.f32 v19, v13;
	[tilespmem:v2+s24+$0xFFFFFFD0 ss:$0x1] =	vst.idx.msk $0xffff, v6  }
0x7b: {  	v15 =	vadd.f32 v25, v15;
	[tilespmem:v2+s24+$0xFFFFFFE0 ss:$0x1] =	vst.idx.msk $0xffff, v3  }
0x7c: {  	v13 =	vadd.f32 v14, v13;
	[tilespmem:v2+s24+$0xFFFFFFF0 ss:$0x1] =	vst.idx.msk $0xffff, v0  }
0x7d: {  	[tilespmem:v2+s24+$0xFFFFFEB0 ss:$0x1] =	vst.idx.msk $0xffff, v16;
	v15 =	vadd.f32 v17, v15  }
.Ltmp0:
0x7e: {  	[tilespmem:v2+s24+$0xFFFFFEC0 ss:$0x1] =	vst.idx.msk $0xffff, v19;
	v16 =	vadd.f32 v22, v13;
	v13 =	vmul.f32 v9, v9;
	(pc) =	sbr.rel @p1 .LBB2_4-.Ltmp0, $4  }
0x7f: {  	[tilespmem:v2+s24+$0xFFFFFED0 ss:$0x1] =	vst.idx.msk $0xffff, v14;
	v15 =	vadd.f32 v24, v15  }
0x80: {  	v14 =	vmul.f32 v6, v6;
	[tilespmem:v2+s24+$0xFFFFFEE0 ss:$0x1] =	vst.idx.msk $0xffff, v22;
	v16 =	vadd.f32 v23, v16  }
0x81: {  	v17 =	vmul.f32 v20, v20;
	[tilespmem:v2+s24+$0xFFFFFEF0 ss:$0x1] =	vst.idx.msk $0xffff, v23;
	v15 =	vadd.f32 v18, v15  }
0x82: {  	s23 =	sadd.s32 $0x100, s23;
	[tilespmem:v2+s24+$0xFFFFFF00 ss:$0x1] =	vst.idx.msk $0xffff, v20;
	v16 =	vadd.f32 v20, v16  }
0x83: {  	v15 =	vadd.f32 v17, v15;
	_ =	sdelay $0x1  }
0x84: {  	v7 =	vadd.f32 v7, v16;
	v10 =	vadd.f32 v10, v15;
	_ =	sdelay $0x1  }
0x85: {  	v4 =	vadd.f32 v4, v7;
	v7 =	vadd.f32 v11, v10;
	_ =	sdelay $0x1  }
0x86: {  	v4 =	vadd.f32 v8, v4;
	v7 =	vadd.f32 v12, v7;
	_ =	sdelay $0x1  }
0x87: {  	v4 =	vadd.f32 v9, v4;
	v7 =	vadd.f32 v13, v7;
	_ =	sdelay $0x1  }
0x88: {  	v8 =	vmul.f32 v3, v3;
	v4 =	vadd.f32 v6, v4;
	v6 =	vadd.f32 v14, v7;
	_ =	sdelay $0x1  }
0x89: {  	s22 =	sshll.u32 s19, $0xF;
	v3 =	vadd.f32 v3, v4;
	v4 =	vadd.f32 v8, v6;
	v6 =	vmul.f32 v0, v0  }
0x8a: {  	s22 =	sadd.s32 s18, s22  }
0x8b: {  	s22 =	sshrl.u32 s22, $0x3;
	v63 =	vadd.f32 v0, v3;
	v3 =	vadd.f32 v6, v4;
	v4 =	vmul.f32 v5, v1  }
0x8c: {  	s22 =	sadd.s32 s5, s22  }
0x8d: {  	[tilespmem:v2+s24+$0x0 ss:$0x1] =	vst.idx.msk $0xffff, v1;
	s23 =	simm.s32 $0x80;
	s24 =	sadd.s32 $0x100, s21;
	s25 =	sadd.s32 $0x0, s22;
	v10 =	vadd.f32 v1, v63;
	v5 =	vadd.f32 v4, v3  }
.LBB2_6:
0x8e: {  	[hbm4b:s25+s4] =	stream.linear.scatter [tilespmem:s21], [sflag:$0x1], $0x80, $0x38;
	[tilespmem:$0x1EA80] =	vst v63  }
0x8f: {  	s25 =	smov.u32 s23;
	s21 =	smov.u32 s24;
	p1 =	sne.s32 s23, $0xF80  }
.Ltmp1:
0x90: {  	s23 =	sadd.s32 $0x80, s23;
	(pc) =	sbr.rel @p1 .LBB2_6-.Ltmp1, $2  }
0x91: {  	_ =	sdelay $0x2  }
0x92: {  	s24 =	sadd.s32 $0x100, s24;
	s25 =	sadd.s32 s25, s22  }
0x93: {  	s19 =	sadd.s32 $0x1, s19  }
0x94: {  	p1 =	sne.s32 s19, $0x4  }
.Ltmp2:
0x95: {  	_ = 	snop;
	(pc) =	sbr.rel @p1 .LBB2_3-.Ltmp2, $3  }
0x96: {  	_ =	sdelay $0x1  }
0x97: {  	[hbm4b:s25+s4] =	stream.linear.scatter [tilespmem:s21], [sflag:$0x1], $0x80, $0x38;
	[tilespmem:$0x1EA80] =	vst v63  }
0x98: {  	p0 =	por !p0, !p0;
	s20 =	sadd.s32 $0x1000, s20  }
0x99: {  	s17 =	sshll.u32 s15, $0x5;
	s15 =	sadd.s32 $0x1, s15  }
0x9a: {  	p0 =	sne.s32 s15, $0x1A  }
.Ltmp3:
0x9b: {  	_ = 	snop;
	(pc) =	sbr.rel @p0 .LBB2_2-.Ltmp3, $4  }
0x9c: {  	_ = 	snop  }
0x9d: {  	s17 =	sand.u32 $0x3FFFFFE0, s17  }
0x9e: {  	[tilespmem:s17+$0x1E700] =	vst v10  }
0x9f: {  	[tilespmem:s17+$0x1E710] =	vst v5  }
0xa0: {  	[hbm4b:s7+s9] =	stream.strided.scatter [tilespmem:s13], [sflag:$0x2], $0x380, s10, s9, $0x38;
	[tilespmem:$0x1EA80] =	vst v63  }
0xa1: {  	_ =	swait.ge [sflag:s11], $0x380  }
0xa2: {  	[sflag:s11] =	ssyncset.done $0x0  }
0xa3: {  	s14 =	sadd.s32 $0x1, s14;
	[sflag:s11] =	ssyncadd.s32 $0xFFFFFC80  }
0xa4: {  	p0 =	sne.s32 s14, s8;
	_ =	swait.ge [sflag:s12], $0x1000  }
.Ltmp4:
0xa5: {  	[sflag:s12] =	ssyncset.done $0x0;
	(pc) =	sbr.rel @p0 .LBB2_1-.Ltmp4, $4  }
0xa6: {  	[sflag:s12] =	ssyncadd.s32 $0xFFFFF000  }
0xa7: {  	_ =	swait.ge [sflag:s12], $0x1000  }
0xa8: {  	[sflag:s12] =	ssyncset.done $0x0  }
0xa9: {  	[sflag:s12] =	ssyncadd.s32 $0xFFFFF000  }
0xaa: {  	_ =	sfence.sel $0x180000  }
0xab: {  	[bflag:$0x0] =	sbarrier.arrive $0xFFFF  }
0xac: {  	p0 =	sne.s32 s0, $0x0;
	_ =	strace $0x90000047  }
0xad: {  	s0 =	sadd.s32 @!p0 $0x100000, s2;
	[bflag:$0x2] =	sbarrier.arrive $0xFFFF  }
0xae: {  	[sflag:s0] =	ssyncadd.tile.s32 @!p0 $0x1;
	_ =	shalt  }
.Lfunc_end2:
_tile_overlayer_lowered:
.L_overlay_start_2:
0xaf: {  	(tag) =	ssettag $0x2  }
0xb0: {  	s0 =	rddreg [dreg:$0x0];
	s2 =	stileid.u32  }
0xb1: {  	s1 =	rddreg [dreg:$0x1];
	p0 =	sne.s32 s2, $0x0  }
0xb2: {  	s3 =	rddreg [dreg:$0x2];
	[bflag:$0x3] =	sbarrier.arrive $0xFFFF;
	s2 =	simm.s32 @!p0 $0x1C02  }
0xb3: {  	[timem:s3], [sflag:s2] =	dma.local @!p0 [hbm:s0], s1  }
0xb4: {  	s0 =	simm.s32 @!p0 $0x2  }
0xb5: {  	_ =	swait.ge @!p0 [sflag:s0], s1  }
0xb6: {  	s1 =	ssub.s32 @!p0 $0x0, s1;
	[sflag:s0] =	ssyncset.done @!p0 $0x0  }
0xb7: {  	[sflag:s0] =	ssyncadd.s32 @!p0 s1  }
0xb8: {  	[bflag:$0x3] =	sbarrier.arrive $0xFFFF  }
0xb9: {  	_ =	shalt  }

</sc_bundles>
